<compile_context>
chip_gen: v7x
topology: tpu7x:2x2x1
jax: 0.10.2.dev20260603
libtpu: 0.0.44.dev20260713+nightly
codegen_flags: <defaults>
</compile_context>

<pallas_src>
import jax
import jax.numpy as jnp
from jax import lax
from jax.experimental import pallas as pl
from jax.experimental.pallas import tpu as pltpu
from jax.experimental.pallas import tpu_sc as plsc

_EPS = 1e-8
_D = 256

_SC_W = 32
_SC_CH = 160
_SC_NCH = 8
_SC_RPW = _SC_CH * _SC_NCH
_SC_ROWS = _SC_W * _SC_RPW
_TC_ROWS = 100000 - _SC_ROWS
_TC_NB = 6
_TC_BLK = _TC_ROWS // _TC_NB



def _tc_block(e_ref, x_ref, o_ref):
    x = x_ref[:]
    e = e_ref[:]
    dims = (((1,), (1,)), ((), ()))
    num = jax.lax.dot_general(e, x, dims,
                              preferred_element_type=jnp.float32)
    ones = jnp.ones((1, _D), jnp.float32)
    n2sq = jax.lax.dot_general(ones, x * x, dims,
                               preferred_element_type=jnp.float32)
    n2 = jnp.sqrt(n2sq)
    n1 = jnp.sqrt(jnp.sum(e * e))
    denom = jnp.maximum(n1, _EPS) * jnp.maximum(n2, _EPS)
    o_ref[0] = num / denom


def _tc_part(embedding, x):
    out = pl.pallas_call(
        _tc_block,
        grid=(_TC_NB,),
        in_specs=[
            pl.BlockSpec((1, _D), lambda i: (0, 0)),
            pl.BlockSpec((_TC_BLK, _D), lambda i: (i, 0)),
        ],
        out_specs=pl.BlockSpec((1, 1, _TC_BLK), lambda i: (i, 0, 0)),
        out_shape=jax.ShapeDtypeStruct((_TC_NB, 1, _TC_BLK), jnp.float32),
        compiler_params=pltpu.CompilerParams(skip_device_barrier=True),
    )(embedding, x)
    return out.reshape(_TC_ROWS)



def _nrsqrt(v):
    i = plsc.bitcast(v, jnp.int32)
    i = 0x5F3759DF - (i >> 1)
    y = plsc.bitcast(i, jnp.float32)
    for _ in range(3):
        y = y * (1.5 - 0.5 * v * y * y)
    return jnp.minimum(y, 1.0 / _EPS)


def _sc_body(e_hbm, x_hbm, o_hbm, e_v, x_v, o_v, sem):
    c = lax.axis_index("c")
    s = lax.axis_index("s")
    wid = s * 2 + c
    base = _TC_ROWS + wid * _SC_RPW

    pltpu.sync_copy(e_hbm, e_v)

    ev = [e_v[pl.ds(j * 16, 16)] for j in range(_D // 16)]

    eacc = jnp.zeros((16,), jnp.float32)
    for v in ev:
        eacc = eacc + v * v
    s1 = plsc.cumsum(eacc)[jnp.full((16,), 15, jnp.int32)]
    inv1 = _nrsqrt(s1)

    lane = lax.iota(jnp.int32, 16)

    def chunk_src(ch):
        return x_hbm.at[pl.ds(base + ch * _SC_CH, _SC_CH)]

    def buf_dst(ch):
        return x_v.at[pl.ds((ch % 2) * _SC_CH, _SC_CH)]

    pltpu.async_copy(chunk_src(0), buf_dst(0), sem)

    def chunk_body(ch, _):
        pltpu.make_async_copy(chunk_src(ch), buf_dst(ch), sem).wait()

        @pl.when(ch + 1 < _SC_NCH)
        def _start_next():
            pltpu.async_copy(chunk_src(ch + 1), buf_dst(ch + 1), sem)

        boff = (ch % 2) * _SC_CH

        def group_body(g, _):
            rows = boff + g * 16 + lane
            def j_body(j, accs):
                ad = list(accs[:4])
                as_ = list(accs[4:])
                dcol = jnp.bitwise_and(lane + j, 15)
                for t in range(_D // 16):
                    col = plsc.load_gather(x_v, [rows, dcol + (t * 16)])
                    b = t % 4
                    ad[b] = ad[b] + col * ev[t][dcol]
                    as_[b] = as_[b] + col * col
                return tuple(ad) + tuple(as_)

            z = jnp.zeros((16,), jnp.float32)
            accs = lax.fori_loop(0, 16, j_body, (z,) * 8)
            ad = list(accs[:4])
            as_ = list(accs[4:])
            for st in (2, 1):
                for b in range(st):
                    ad[b] = ad[b] + ad[b + st]
                    as_[b] = as_[b] + as_[b + st]
            sim = ad[0] * _nrsqrt(as_[0]) * inv1
            o_v[pl.ds(ch * _SC_CH + g * 16, 16)] = sim
            return 0

        lax.fori_loop(0, _SC_CH // 16, group_body, 0)
        return 0

    lax.fori_loop(0, _SC_NCH, chunk_body, 0)

    pltpu.sync_copy(o_v, o_hbm.at[pl.ds(wid * _SC_RPW, _SC_RPW)])


def _sc_part(embedding, x):
    mesh = plsc.VectorSubcoreMesh(core_axis_name="c", subcore_axis_name="s")
    fn = pl.kernel(
        _sc_body,
        out_type=jax.ShapeDtypeStruct((_SC_ROWS,), jnp.float32),
        mesh=mesh,
        compiler_params=pltpu.CompilerParams(needs_layout_passes=False),
        scratch_types=[
            pltpu.VMEM((_D,), jnp.float32),
            pltpu.VMEM((2 * _SC_CH, _D), jnp.float32),
            pltpu.VMEM((_SC_RPW,), jnp.float32),
            pltpu.SemaphoreType.DMA,
        ],
    )
    return fn(embedding.reshape(_D), x)


def kernel(embedding, x):
    out_sc = _sc_part(embedding, x)
    out_tc = _tc_part(embedding, x)
    return jnp.concatenate([out_tc, out_sc])

# --- scband reference (transcript-rebuilt; emitter-appended) ---
"""Pipeline reference for scband-bert-chat-bot-45191645888928 (READ-ONLY COPY).

The authoritative reference and input builder live on the scoring server;
editing this copy changes nothing except your own understanding.
"""

import jax, jax.numpy as jnp
import numpy as np


def setup_inputs(seed: int = 0) -> dict:
    key = jax.random.key(seed)
    k1, k2 = jax.random.split(key)
    embedding = jax.random.normal(k1, (1, 256), dtype=jnp.float32)
    x = jax.random.normal(k2, (100000, 256), dtype=jnp.float32)
    return {"embedding": embedding, "x": x}


def reference(embedding, x):
    # Faithful translation of nn.CosineSimilarity(dim=-1)(embedding, x)
    # torch semantics: x1.x2 / (max(||x1||, eps) * max(||x2||, eps)), eps=1e-8
    eps = 1e-8
    n1 = jnp.maximum(jnp.sqrt(jnp.sum(embedding * embedding, axis=-1)), eps)  # [1]
    n2 = jnp.maximum(jnp.sqrt(jnp.sum(x * x, axis=-1)), eps)  # [N]
    num = jnp.sum(embedding * x, axis=-1)  # broadcast -> [N]
    similarity = num / (n1 * n2)
    return similarity

if __name__ == "__main__":
    import jax
    _d = setup_inputs()
    print(jax.jit(kernel)(*tuple(_d.values())))

</pallas_src>

<mosaic_0001>
#map = affine_map<(d0, d1) -> (0)>
#map1 = affine_map<(d0, d1) -> (0, 0)>
module attributes {stable_mosaic.version = 14 : i64} {
  func.func @_sc_body(%arg0: i32, %arg1: i32, %arg2: memref<256xf32, #tpu.memory_space<hbm>>, %arg3: memref<100000x256xf32, #tpu.memory_space<hbm>>, %arg4: memref<40960xf32, #tpu.memory_space<hbm>>, %arg5: memref<256xf32, #tpu.memory_space<vmem>>, %arg6: memref<320x256xf32, #tpu.memory_space<vmem>>, %arg7: memref<1280xf32, #tpu.memory_space<vmem>>, %arg8: memref<!tpu.dma_semaphore, #tpu.memory_space<semaphore_mem>>) attributes {dimension_semantics = [#tpu.dimension_semantics<core_parallel>, #tpu.dimension_semantics<subcore_parallel>], iteration_bounds = array<i64: 2, 16>, scalar_prefetch = 0 : i64, scratch_operands = 4 : i64, tpu.core_type = #tpu.core_type<sc_vector_subcore>, window_params = [{transform_indices = #map}, {transform_indices = #map1}, {transform_indices = #map}]} {
    %mul3A = arith.constant 2 : i32
    %mul3A_0 = arith.muli %arg1, %mul3A : i32
    %add3A = arith.addi %mul3A_0, %arg0 : i32
    %mul3A_1 = arith.constant 1280 : i32
    %mul3A_2 = arith.muli %add3A, %mul3A_1 : i32
    %add3A_3 = arith.constant 59040 : i32
    %add3A_4 = arith.addi %add3A_3, %mul3A_2 : i32
    "tpu.region"() ({
      %run_scoped3A = tpu.sem_alloc : memref<!tpu.dma_semaphore, #tpu.memory_space<semaphore_mem>>
      tpu.enqueue_dma source(%arg2 : memref<256xf32, #tpu.memory_space<hbm>>) target(%arg5 : memref<256xf32, #tpu.memory_space<vmem>>) target_semaphore(%run_scoped3A : memref<!tpu.dma_semaphore, #tpu.memory_space<semaphore_mem>>)
      tpu.wait_dma2 semaphore(%run_scoped3A : memref<!tpu.dma_semaphore, #tpu.memory_space<semaphore_mem>>) src(%arg2 : memref<256xf32, #tpu.memory_space<hbm>>) dst(%arg5 : memref<256xf32, #tpu.memory_space<vmem>>)
      tpu.yield
    }) : () -> ()
    %get3A = arith.constant 0 : index
    %get3A_5 = tpu.vector_load %arg5[%get3A] {strides = array<i32>} : memref<256xf32, #tpu.memory_space<vmem>>, vector<16xf32>,
    %get3A_6 = arith.constant 16 : index
    %get3A_7 = tpu.vector_load %arg5[%get3A_6] {strides = array<i32>} : memref<256xf32, #tpu.memory_space<vmem>>, vector<16xf32>,
    %get3A_8 = arith.constant 32 : index
    %get3A_9 = tpu.vector_load %arg5[%get3A_8] {strides = array<i32>} : memref<256xf32, #tpu.memory_space<vmem>>, vector<16xf32>,
    %get3A_10 = arith.constant 48 : index
    %get3A_11 = tpu.vector_load %arg5[%get3A_10] {strides = array<i32>} : memref<256xf32, #tpu.memory_space<vmem>>, vector<16xf32>,
    %get3A_12 = arith.constant 64 : index
    %get3A_13 = tpu.vector_load %arg5[%get3A_12] {strides = array<i32>} : memref<256xf32, #tpu.memory_space<vmem>>, vector<16xf32>,
    %get3A_14 = arith.constant 80 : index
    %get3A_15 = tpu.vector_load %arg5[%get3A_14] {strides = array<i32>} : memref<256xf32, #tpu.memory_space<vmem>>, vector<16xf32>,
    %get3A_16 = arith.constant 96 : index
    %get3A_17 = tpu.vector_load %arg5[%get3A_16] {strides = array<i32>} : memref<256xf32, #tpu.memory_space<vmem>>, vector<16xf32>,
    %get3A_18 = arith.constant 112 : index
    %get3A_19 = tpu.vector_load %arg5[%get3A_18] {strides = array<i32>} : memref<256xf32, #tpu.memory_space<vmem>>, vector<16xf32>,
    %get3A_20 = arith.constant 128 : index
    %get3A_21 = tpu.vector_load %arg5[%get3A_20] {strides = array<i32>} : memref<256xf32, #tpu.memory_space<vmem>>, vector<16xf32>,
    %get3A_22 = arith.constant 144 : index
    %get3A_23 = tpu.vector_load %arg5[%get3A_22] {strides = array<i32>} : memref<256xf32, #tpu.memory_space<vmem>>, vector<16xf32>,
    %get3A_24 = arith.constant 160 : index
    %get3A_25 = tpu.vector_load %arg5[%get3A_24] {strides = array<i32>} : memref<256xf32, #tpu.memory_space<vmem>>, vector<16xf32>,
    %get3A_26 = arith.constant 176 : index
    %get3A_27 = tpu.vector_load %arg5[%get3A_26] {strides = array<i32>} : memref<256xf32, #tpu.memory_space<vmem>>, vector<16xf32>,
    %get3A_28 = arith.constant 192 : index
    %get3A_29 = tpu.vector_load %arg5[%get3A_28] {strides = array<i32>} : memref<256xf32, #tpu.memory_space<vmem>>, vector<16xf32>,
    %get3A_30 = arith.constant 208 : index
    %get3A_31 = tpu.vector_load %arg5[%get3A_30] {strides = array<i32>} : memref<256xf32, #tpu.memory_space<vmem>>, vector<16xf32>,
    %get3A_32 = arith.constant 224 : index
    %get3A_33 = tpu.vector_load %arg5[%get3A_32] {strides = array<i32>} : memref<256xf32, #tpu.memory_space<vmem>>, vector<16xf32>,
    %get3A_34 = arith.constant 240 : index
    %get3A_35 = tpu.vector_load %arg5[%get3A_34] {strides = array<i32>} : memref<256xf32, #tpu.memory_space<vmem>>, vector<16xf32>,
    %broadcast_in_dim3A = arith.constant 0.000000e+00 : f32
    %broadcast_in_dim3A_36 = vector.broadcast %broadcast_in_dim3A : f32 to vector<16xf32>
    %mul3A_37 = arith.mulf %get3A_5, %get3A_5 : vector<16xf32>
    %add3A_38 = arith.addf %broadcast_in_dim3A_36, %mul3A_37 : vector<16xf32>
    %mul3A_39 = arith.mulf %get3A_7, %get3A_7 : vector<16xf32>
    %add3A_40 = arith.addf %add3A_38, %mul3A_39 : vector<16xf32>
    %mul3A_41 = arith.mulf %get3A_9, %get3A_9 : vector<16xf32>
    %add3A_42 = arith.addf %add3A_40, %mul3A_41 : vector<16xf32>
    %mul3A_43 = arith.mulf %get3A_11, %get3A_11 : vector<16xf32>
    %add3A_44 = arith.addf %add3A_42, %mul3A_43 : vector<16xf32>
    %mul3A_45 = arith.mulf %get3A_13, %get3A_13 : vector<16xf32>
    %add3A_46 = arith.addf %add3A_44, %mul3A_45 : vector<16xf32>
    %mul3A_47 = arith.mulf %get3A_15, %get3A_15 : vector<16xf32>
    %add3A_48 = arith.addf %add3A_46, %mul3A_47 : vector<16xf32>
    %mul3A_49 = arith.mulf %get3A_17, %get3A_17 : vector<16xf32>
    %add3A_50 = arith.addf %add3A_48, %mul3A_49 : vector<16xf32>
    %mul3A_51 = arith.mulf %get3A_19, %get3A_19 : vector<16xf32>
    %add3A_52 = arith.addf %add3A_50, %mul3A_51 : vector<16xf32>
    %mul3A_53 = arith.mulf %get3A_21, %get3A_21 : vector<16xf32>
    %add3A_54 = arith.addf %add3A_52, %mul3A_53 : vector<16xf32>
    %mul3A_55 = arith.mulf %get3A_23, %get3A_23 : vector<16xf32>
    %add3A_56 = arith.addf %add3A_54, %mul3A_55 : vector<16xf32>
    %mul3A_57 = arith.mulf %get3A_25, %get3A_25 : vector<16xf32>
    %add3A_58 = arith.addf %add3A_56, %mul3A_57 : vector<16xf32>
    %mul3A_59 = arith.mulf %get3A_27, %get3A_27 : vector<16xf32>
    %add3A_60 = arith.addf %add3A_58, %mul3A_59 : vector<16xf32>
    %mul3A_61 = arith.mulf %get3A_29, %get3A_29 : vector<16xf32>
    %add3A_62 = arith.addf %add3A_60, %mul3A_61 : vector<16xf32>
    %mul3A_63 = arith.mulf %get3A_31, %get3A_31 : vector<16xf32>
    %add3A_64 = arith.addf %add3A_62, %mul3A_63 : vector<16xf32>
    %mul3A_65 = arith.mulf %get3A_33, %get3A_33 : vector<16xf32>
    %add3A_66 = arith.addf %add3A_64, %mul3A_65 : vector<16xf32>
    %mul3A_67 = arith.mulf %get3A_35, %get3A_35 : vector<16xf32>
    %add3A_68 = arith.addf %add3A_66, %mul3A_67 : vector<16xf32>
    %broadcast_in_dim3A_69 = arith.constant true
    %broadcast_in_dim3A_70 = vector.broadcast %broadcast_in_dim3A_69 : i1 to vector<16xi1>
    %masked_cumsum3A = tpu.scan <sum>, %add3A_68 masked %broadcast_in_dim3A_70 : vector<16xf32>, vector<16xi1> -> vector<16xf32>
    %broadcast_in_dim3A_71 = arith.constant 15 : i32
    %broadcast_in_dim3A_72 = vector.broadcast %broadcast_in_dim3A_71 : i32 to vector<16xi32>
    %lt3A = arith.constant 0 : i32
    %lt3A_73 = vector.broadcast %lt3A : i32 to vector<16xi32>
    %lt3A_74 = arith.cmpi slt, %broadcast_in_dim3A_72, %lt3A_73 : vector<16xi32>
    %add3A_75 = arith.constant 16 : i32
    %add3A_76 = vector.broadcast %add3A_75 : i32 to vector<16xi32>
    %add3A_77 = arith.addi %broadcast_in_dim3A_72, %add3A_76 : vector<16xi32>
    %select_n3A = arith.select %lt3A_74, %add3A_77, %broadcast_in_dim3A_72 : vector<16xi1>, vector<16xi32>
    %broadcast_in_dim3A_78 = vector.shape_cast %select_n3A : vector<16xi32> to vector<16x1xi32>
    %gather3A = vector.shape_cast %broadcast_in_dim3A_78 : vector<16x1xi32> to vector<16xi32>
    %gather3A_79 = tpu.dynamic_gather %masked_cumsum3A[%gather3A] in [0] : vector<16xf32>, vector<16xi32> -> vector<16xf32>
    %bitcast3A = vector.bitcast %gather3A_79 : vector<16xf32> to vector<16xi32>
    %shift_right_arithmetic3A = arith.constant 1 : i32
    %shift_right_arithmetic3A_80 = vector.broadcast %shift_right_arithmetic3A : i32 to vector<16xi32>
    %shift_right_arithmetic3A_81 = arith.shrsi %bitcast3A, %shift_right_arithmetic3A_80 : vector<16xi32>
    %sub3A = arith.constant 1597463007 : i32
    %sub3A_82 = vector.broadcast %sub3A : i32 to vector<16xi32>
    %sub3A_83 = arith.subi %sub3A_82, %shift_right_arithmetic3A_81 : vector<16xi32>
    %bitcast3A_84 = vector.bitcast %sub3A_83 : vector<16xi32> to vector<16xf32>
    %mul3A_85 = arith.constant 5.000000e-01 : f32
    %mul3A_86 = vector.broadcast %mul3A_85 : f32 to vector<16xf32>
    %mul3A_87 = arith.mulf %mul3A_86, %gather3A_79 : vector<16xf32>
    %mul3A_88 = arith.mulf %mul3A_87, %bitcast3A_84 : vector<16xf32>
    %mul3A_89 = arith.mulf %mul3A_88, %bitcast3A_84 : vector<16xf32>
    %sub3A_90 = arith.constant 1.500000e+00 : f32
    %sub3A_91 = vector.broadcast %sub3A_90 : f32 to vector<16xf32>
    %sub3A_92 = arith.subf %sub3A_91, %mul3A_89 : vector<16xf32>
    %mul3A_93 = arith.mulf %bitcast3A_84, %sub3A_92 : vector<16xf32>
    %mul3A_94 = arith.constant 5.000000e-01 : f32
    %mul3A_95 = vector.broadcast %mul3A_94 : f32 to vector<16xf32>
    %mul3A_96 = arith.mulf %mul3A_95, %gather3A_79 : vector<16xf32>
    %mul3A_97 = arith.mulf %mul3A_96, %mul3A_93 : vector<16xf32>
    %mul3A_98 = arith.mulf %mul3A_97, %mul3A_93 : vector<16xf32>
    %sub3A_99 = arith.constant 1.500000e+00 : f32
    %sub3A_100 = vector.broadcast %sub3A_99 : f32 to vector<16xf32>
    %sub3A_101 = arith.subf %sub3A_100, %mul3A_98 : vector<16xf32>
    %mul3A_102 = arith.mulf %mul3A_93, %sub3A_101 : vector<16xf32>
    %mul3A_103 = arith.constant 5.000000e-01 : f32
    %mul3A_104 = vector.broadcast %mul3A_103 : f32 to vector<16xf32>
    %mul3A_105 = arith.mulf %mul3A_104, %gather3A_79 : vector<16xf32>
    %mul3A_106 = arith.mulf %mul3A_105, %mul3A_102 : vector<16xf32>
    %mul3A_107 = arith.mulf %mul3A_106, %mul3A_102 : vector<16xf32>
    %sub3A_108 = arith.constant 1.500000e+00 : f32
    %sub3A_109 = vector.broadcast %sub3A_108 : f32 to vector<16xf32>
    %sub3A_110 = arith.subf %sub3A_109, %mul3A_107 : vector<16xf32>
    %mul3A_111 = arith.mulf %mul3A_102, %sub3A_110 : vector<16xf32>
    %min3A = arith.constant 1.000000e+08 : f32
    %min3A_112 = vector.broadcast %min3A : f32 to vector<16xf32>
    %min3A_113 = arith.minimumf %mul3A_111, %min3A_112 : vector<16xf32>
    %iota3A = tpu.iota {dimensions = array<i32: 0>} : vector<16xi32>
    %add3A_114 = arith.constant 0 : i32
    %add3A_115 = arith.addi %add3A_4, %add3A_114 : i32
    %dma_start3A = arith.constant 0 : i32
    %dma_start3A_116 = arith.constant 0 : i32
    %dma_start3A_117 = tpu.memref_slice %arg6[%dma_start3A, %dma_start3A_116] : memref<320x256xf32, #tpu.memory_space<vmem>> -> memref<160x256xf32, #tpu.memory_space<vmem>>
    %dma_start3A_118 = arith.constant 0 : i32
    %dma_start3A_119 = tpu.memref_slice %arg3[%add3A_115, %dma_start3A_118] : memref<100000x256xf32, #tpu.memory_space<hbm>> -> memref<160x256xf32, #tpu.memory_space<hbm>>
    %dma_start3A_120 = arith.constant 0 : i32
    %dma_start3A_121 = arith.constant 0 : i32
    %dma_start3A_122 = tpu.memref_slice %arg6[%dma_start3A_120, %dma_start3A_121] : memref<320x256xf32, #tpu.memory_space<vmem>> -> memref<160x256xf32, #tpu.memory_space<vmem>>
    %dma_start3A_123 = arith.constant 0 : i32
    %dma_start3A_124 = tpu.memref_slice %arg3[%add3A_115, %dma_start3A_123] : memref<100000x256xf32, #tpu.memory_space<hbm>> -> memref<160x256xf32, #tpu.memory_space<hbm>>
    tpu.enqueue_dma source(%dma_start3A_124 : memref<160x256xf32, #tpu.memory_space<hbm>>) target(%dma_start3A_122 : memref<160x256xf32, #tpu.memory_space<vmem>>) target_semaphore(%arg8 : memref<!tpu.dma_semaphore, #tpu.memory_space<semaphore_mem>>)
    %scan3A = arith.constant 0 : i32
    %scan3A_125 = arith.constant 0 : i32
    %scan3A_126 = arith.constant 8 : i32
    %scan3A_127 = arith.addi %scan3A_125, %scan3A_126 : i32
    %scan3A_128 = arith.constant 1 : i32
    %scan3A_129 = scf.for %scan3A_133 = %scan3A_125 to %scan3A_127 step %scan3A_128 iter_args(%scan3A_134 = %scan3A) -> (i32)  : i32 {
      %mul3A_135 = arith.constant 160 : i32
      %mul3A_136 = arith.muli %scan3A_133, %mul3A_135 : i32
      %add3A_137 = arith.addi %add3A_4, %mul3A_136 : i32
      %jit3A = arith.constant 2 : i32
      %eq3A = arith.constant 0 : i32
      %eq3A_138 = arith.cmpi eq, %jit3A, %eq3A : i32
      %jit3A_139 = arith.constant 1 : i32
      %select_n3A_140 = arith.select %eq3A_138, %jit3A_139, %jit3A : i32
      %rem3A = arith.remsi %scan3A_133, %select_n3A_140 : i32
      %ne3A = arith.constant 0 : i32
      %ne3A_141 = arith.cmpi ne, %rem3A, %ne3A : i32
      %lt3A_142 = arith.constant 0 : i32
      %lt3A_143 = arith.cmpi slt, %rem3A, %lt3A_142 : i32
      %lt3A_144 = arith.constant 0 : i32
      %lt3A_145 = arith.cmpi slt, %select_n3A_140, %lt3A_144 : i32
      %ne3A_146 = arith.xori %lt3A_143, %lt3A_145 : i1
      %and3A = arith.andi %ne3A_146, %ne3A_141 : i1
      %add3A_147 = arith.addi %rem3A, %select_n3A_140 : i32
      %select_n3A_148 = arith.select %and3A, %add3A_147, %rem3A : i32
      %mul3A_149 = arith.constant 160 : i32
      %mul3A_150 = arith.muli %select_n3A_148, %mul3A_149 : i32
      %dma_wait3A = arith.constant 0 : i32
      %dma_wait3A_151 = tpu.memref_slice %arg6[%mul3A_150, %dma_wait3A] : memref<320x256xf32, #tpu.memory_space<vmem>> -> memref<160x256xf32, #tpu.memory_space<vmem>>
      %dma_wait3A_152 = arith.constant 0 : i32
      %dma_wait3A_153 = tpu.memref_slice %arg3[%add3A_137, %dma_wait3A_152] : memref<100000x256xf32, #tpu.memory_space<hbm>> -> memref<160x256xf32, #tpu.memory_space<hbm>>
      %dma_wait3A_154 = arith.constant 0 : i32
      %dma_wait3A_155 = tpu.memref_slice %arg6[%mul3A_150, %dma_wait3A_154] : memref<320x256xf32, #tpu.memory_space<vmem>> -> memref<160x256xf32, #tpu.memory_space<vmem>>
      %dma_wait3A_156 = arith.constant 0 : i32
      %dma_wait3A_157 = tpu.memref_slice %arg3[%add3A_137, %dma_wait3A_156] : memref<100000x256xf32, #tpu.memory_space<hbm>> -> memref<160x256xf32, #tpu.memory_space<hbm>>
      tpu.wait_dma2 semaphore(%arg8 : memref<!tpu.dma_semaphore, #tpu.memory_space<semaphore_mem>>) src(%dma_wait3A_157 : memref<160x256xf32, #tpu.memory_space<hbm>>) dst(%dma_wait3A_155 : memref<160x256xf32, #tpu.memory_space<vmem>>)
      %add3A_158 = arith.constant 1 : i32
      %add3A_159 = arith.addi %scan3A_133, %add3A_158 : i32
      %lt3A_160 = arith.constant 8 : i32
      %lt3A_161 = arith.cmpi slt, %add3A_159, %lt3A_160 : i32
      %convert_element_type3A = arith.extui %lt3A_161 : i1 to i32
      %cond3A = arith.constant 0 : i32
      %cond3A_162 = arith.cmpi ne, %convert_element_type3A, %cond3A : i32
      scf.if %cond3A_162 {
        %add3A_189 = arith.constant 1 : i32
        %add3A_190 = arith.addi %scan3A_133, %add3A_189 : i32
        %mul3A_191 = arith.constant 160 : i32
        %mul3A_192 = arith.muli %add3A_190, %mul3A_191 : i32
        %add3A_193 = arith.addi %add3A_4, %mul3A_192 : i32
        %add3A_194 = arith.constant 1 : i32
        %add3A_195 = arith.addi %scan3A_133, %add3A_194 : i32
        %jit3A_196 = arith.constant 2 : i32
        %eq3A_197 = arith.constant 0 : i32
        %eq3A_198 = arith.cmpi eq, %jit3A_196, %eq3A_197 : i32
        %jit3A_199 = arith.constant 1 : i32
        %select_n3A_200 = arith.select %eq3A_198, %jit3A_199, %jit3A_196 : i32
        %rem3A_201 = arith.remsi %add3A_195, %select_n3A_200 : i32
        %ne3A_202 = arith.constant 0 : i32
        %ne3A_203 = arith.cmpi ne, %rem3A_201, %ne3A_202 : i32
        %lt3A_204 = arith.constant 0 : i32
        %lt3A_205 = arith.cmpi slt, %rem3A_201, %lt3A_204 : i32
        %lt3A_206 = arith.constant 0 : i32
        %lt3A_207 = arith.cmpi slt, %select_n3A_200, %lt3A_206 : i32
        %ne3A_208 = arith.xori %lt3A_205, %lt3A_207 : i1
        %and3A_209 = arith.andi %ne3A_208, %ne3A_203 : i1
        %add3A_210 = arith.addi %rem3A_201, %select_n3A_200 : i32
        %select_n3A_211 = arith.select %and3A_209, %add3A_210, %rem3A_201 : i32
        %mul3A_212 = arith.constant 160 : i32
        %mul3A_213 = arith.muli %select_n3A_211, %mul3A_212 : i32
        %dma_start3A_214 = arith.constant 0 : i32
        %dma_start3A_215 = tpu.memref_slice %arg6[%mul3A_213, %dma_start3A_214] : memref<320x256xf32, #tpu.memory_space<vmem>> -> memref<160x256xf32, #tpu.memory_space<vmem>>
        %dma_start3A_216 = arith.constant 0 : i32
        %dma_start3A_217 = tpu.memref_slice %arg3[%add3A_193, %dma_start3A_216] : memref<100000x256xf32, #tpu.memory_space<hbm>> -> memref<160x256xf32, #tpu.memory_space<hbm>>
        %dma_start3A_218 = arith.constant 0 : i32
        %dma_start3A_219 = tpu.memref_slice %arg6[%mul3A_213, %dma_start3A_218] : memref<320x256xf32, #tpu.memory_space<vmem>> -> memref<160x256xf32, #tpu.memory_space<vmem>>
        %dma_start3A_220 = arith.constant 0 : i32
        %dma_start3A_221 = tpu.memref_slice %arg3[%add3A_193, %dma_start3A_220] : memref<100000x256xf32, #tpu.memory_space<hbm>> -> memref<160x256xf32, #tpu.memory_space<hbm>>
        tpu.enqueue_dma source(%dma_start3A_221 : memref<160x256xf32, #tpu.memory_space<hbm>>) target(%dma_start3A_219 : memref<160x256xf32, #tpu.memory_space<vmem>>) target_semaphore(%arg8 : memref<!tpu.dma_semaphore, #tpu.memory_space<semaphore_mem>>)
      } else {
      }
      %jit3A_163 = arith.constant 2 : i32
      %eq3A_164 = arith.constant 0 : i32
      %eq3A_165 = arith.cmpi eq, %jit3A_163, %eq3A_164 : i32
      %jit3A_166 = arith.constant 1 : i32
      %select_n3A_167 = arith.select %eq3A_165, %jit3A_166, %jit3A_163 : i32
      %rem3A_168 = arith.remsi %scan3A_133, %select_n3A_167 : i32
      %ne3A_169 = arith.constant 0 : i32
      %ne3A_170 = arith.cmpi ne, %rem3A_168, %ne3A_169 : i32
      %lt3A_171 = arith.constant 0 : i32
      %lt3A_172 = arith.cmpi slt, %rem3A_168, %lt3A_171 : i32
      %lt3A_173 = arith.constant 0 : i32
      %lt3A_174 = arith.cmpi slt, %select_n3A_167, %lt3A_173 : i32
      %ne3A_175 = arith.xori %lt3A_172, %lt3A_174 : i1
      %and3A_176 = arith.andi %ne3A_175, %ne3A_170 : i1
      %add3A_177 = arith.addi %rem3A_168, %select_n3A_167 : i32
      %select_n3A_178 = arith.select %and3A_176, %add3A_177, %rem3A_168 : i32
      %mul3A_179 = arith.constant 160 : i32
      %mul3A_180 = arith.muli %select_n3A_178, %mul3A_179 : i32
      %scan3A_181 = arith.constant 0 : i32
      %scan3A_182 = arith.constant 0 : i32
      %scan3A_183 = arith.constant 10 : i32
      %scan3A_184 = arith.addi %scan3A_182, %scan3A_183 : i32
      %scan3A_185 = arith.constant 1 : i32
      %scan3A_186 = scf.for %scan3A_189 = %scan3A_182 to %scan3A_184 step %scan3A_185 iter_args(%scan3A_190 = %scan3A_181) -> (i32)  : i32 {
        %mul3A_191 = arith.constant 16 : i32
        %mul3A_192 = arith.muli %scan3A_189, %mul3A_191 : i32
        %add3A_193 = arith.addi %mul3A_180, %mul3A_192 : i32
        %add3A_194 = vector.broadcast %add3A_193 : i32 to vector<16xi32>
        %add3A_195 = arith.addi %add3A_194, %iota3A : vector<16xi32>
        %broadcast_in_dim3A_196 = arith.constant 0.000000e+00 : f32
        %broadcast_in_dim3A_197 = vector.broadcast %broadcast_in_dim3A_196 : f32 to vector<16xf32>
        %scan3A_198 = arith.constant 0 : i32
        %scan3A_199 = arith.constant 16 : i32
        %scan3A_200 = arith.addi %scan3A_198, %scan3A_199 : i32
        %scan3A_201 = arith.constant 1 : i32
        %scan3A_202:8 = scf.for %scan3A_257 = %scan3A_198 to %scan3A_200 step %scan3A_201 iter_args(%scan3A_258 = %broadcast_in_dim3A_197, %scan3A_259 = %broadcast_in_dim3A_197, %scan3A_260 = %broadcast_in_dim3A_197, %scan3A_261 = %broadcast_in_dim3A_197, %scan3A_262 = %broadcast_in_dim3A_197, %scan3A_263 = %broadcast_in_dim3A_197, %scan3A_264 = %broadcast_in_dim3A_197, %scan3A_265 = %broadcast_in_dim3A_197) -> (vector<16xf32>, vector<16xf32>, vector<16xf32>, vector<16xf32>, vector<16xf32>, vector<16xf32>, vector<16xf32>, vector<16xf32>)  : i32 {
          %add3A_266 = vector.broadcast %scan3A_257 : i32 to vector<16xi32>
          %add3A_267 = arith.addi %iota3A, %add3A_266 : vector<16xi32>
          %and3A_268 = arith.constant 15 : i32
          %and3A_269 = vector.broadcast %and3A_268 : i32 to vector<16xi32>
          %and3A_270 = arith.andi %add3A_267, %and3A_269 : vector<16xi32>
          %add3A_271 = arith.constant 0 : i32
          %add3A_272 = vector.broadcast %add3A_271 : i32 to vector<16xi32>
          %add3A_273 = arith.addi %and3A_270, %add3A_272 : vector<16xi32>
          %gather3A_274 = tpu.vector_load_idx %arg6[%add3A_195, %add3A_273] : memref<320x256xf32, #tpu.memory_space<vmem>>[vector<16xi32>, vector<16xi32>], vector<16xf32>,
          %lt3A_275 = arith.constant 0 : i32
          %lt3A_276 = vector.broadcast %lt3A_275 : i32 to vector<16xi32>
          %lt3A_277 = arith.cmpi slt, %and3A_270, %lt3A_276 : vector<16xi32>
          %add3A_278 = arith.constant 16 : i32
          %add3A_279 = vector.broadcast %add3A_278 : i32 to vector<16xi32>
          %add3A_280 = arith.addi %and3A_270, %add3A_279 : vector<16xi32>
          %select_n3A_281 = arith.select %lt3A_277, %add3A_280, %and3A_270 : vector<16xi1>, vector<16xi32>
          %broadcast_in_dim3A_282 = vector.shape_cast %select_n3A_281 : vector<16xi32> to vector<16x1xi32>
          %gather3A_283 = vector.shape_cast %broadcast_in_dim3A_282 : vector<16x1xi32> to vector<16xi32>
          %gather3A_284 = tpu.dynamic_gather %get3A_5[%gather3A_283] in [0] : vector<16xf32>, vector<16xi32> -> vector<16xf32>
          %mul3A_285 = arith.mulf %gather3A_274, %gather3A_284 : vector<16xf32>
          %add3A_286 = arith.addf %scan3A_258, %mul3A_285 : vector<16xf32>
          %mul3A_287 = arith.mulf %gather3A_274, %gather3A_274 : vector<16xf32>
          %add3A_288 = arith.addf %scan3A_262, %mul3A_287 : vector<16xf32>
          %add3A_289 = arith.constant 16 : i32
          %add3A_290 = vector.broadcast %add3A_289 : i32 to vector<16xi32>
          %add3A_291 = arith.addi %and3A_270, %add3A_290 : vector<16xi32>
          %gather3A_292 = tpu.vector_load_idx %arg6[%add3A_195, %add3A_291] : memref<320x256xf32, #tpu.memory_space<vmem>>[vector<16xi32>, vector<16xi32>], vector<16xf32>,
          %lt3A_293 = arith.constant 0 : i32
          %lt3A_294 = vector.broadcast %lt3A_293 : i32 to vector<16xi32>
          %lt3A_295 = arith.cmpi slt, %and3A_270, %lt3A_294 : vector<16xi32>
          %add3A_296 = arith.constant 16 : i32
          %add3A_297 = vector.broadcast %add3A_296 : i32 to vector<16xi32>
          %add3A_298 = arith.addi %and3A_270, %add3A_297 : vector<16xi32>
          %select_n3A_299 = arith.select %lt3A_295, %add3A_298, %and3A_270 : vector<16xi1>, vector<16xi32>
          %broadcast_in_dim3A_300 = vector.shape_cast %select_n3A_299 : vector<16xi32> to vector<16x1xi32>
          %gather3A_301 = vector.shape_cast %broadcast_in_dim3A_300 : vector<16x1xi32> to vector<16xi32>
          %gather3A_302 = tpu.dynamic_gather %get3A_7[%gather3A_301] in [0] : vector<16xf32>, vector<16xi32> -> vector<16xf32>
          %mul3A_303 = arith.mulf %gather3A_292, %gather3A_302 : vector<16xf32>
          %add3A_304 = arith.addf %scan3A_259, %mul3A_303 : vector<16xf32>
          %mul3A_305 = arith.mulf %gather3A_292, %gather3A_292 : vector<16xf32>
          %add3A_306 = arith.addf %scan3A_263, %mul3A_305 : vector<16xf32>
          %add3A_307 = arith.constant 32 : i32
          %add3A_308 = vector.broadcast %add3A_307 : i32 to vector<16xi32>
          %add3A_309 = arith.addi %and3A_270, %add3A_308 : vector<16xi32>
          %gather3A_310 = tpu.vector_load_idx %arg6[%add3A_195, %add3A_309] : memref<320x256xf32, #tpu.memory_space<vmem>>[vector<16xi32>, vector<16xi32>], vector<16xf32>,
          %lt3A_311 = arith.constant 0 : i32
          %lt3A_312 = vector.broadcast %lt3A_311 : i32 to vector<16xi32>
          %lt3A_313 = arith.cmpi slt, %and3A_270, %lt3A_312 : vector<16xi32>
          %add3A_314 = arith.constant 16 : i32
          %add3A_315 = vector.broadcast %add3A_314 : i32 to vector<16xi32>
          %add3A_316 = arith.addi %and3A_270, %add3A_315 : vector<16xi32>
          %select_n3A_317 = arith.select %lt3A_313, %add3A_316, %and3A_270 : vector<16xi1>, vector<16xi32>
          %broadcast_in_dim3A_318 = vector.shape_cast %select_n3A_317 : vector<16xi32> to vector<16x1xi32>
          %gather3A_319 = vector.shape_cast %broadcast_in_dim3A_318 : vector<16x1xi32> to vector<16xi32>
          %gather3A_320 = tpu.dynamic_gather %get3A_9[%gather3A_319] in [0] : vector<16xf32>, vector<16xi32> -> vector<16xf32>
          %mul3A_321 = arith.mulf %gather3A_310, %gather3A_320 : vector<16xf32>
          %add3A_322 = arith.addf %scan3A_260, %mul3A_321 : vector<16xf32>
          %mul3A_323 = arith.mulf %gather3A_310, %gather3A_310 : vector<16xf32>
          %add3A_324 = arith.addf %scan3A_264, %mul3A_323 : vector<16xf32>
          %add3A_325 = arith.constant 48 : i32
          %add3A_326 = vector.broadcast %add3A_325 : i32 to vector<16xi32>
          %add3A_327 = arith.addi %and3A_270, %add3A_326 : vector<16xi32>
          %gather3A_328 = tpu.vector_load_idx %arg6[%add3A_195, %add3A_327] : memref<320x256xf32, #tpu.memory_space<vmem>>[vector<16xi32>, vector<16xi32>], vector<16xf32>,
          %lt3A_329 = arith.constant 0 : i32
          %lt3A_330 = vector.broadcast %lt3A_329 : i32 to vector<16xi32>
          %lt3A_331 = arith.cmpi slt, %and3A_270, %lt3A_330 : vector<16xi32>
          %add3A_332 = arith.constant 16 : i32
          %add3A_333 = vector.broadcast %add3A_332 : i32 to vector<16xi32>
          %add3A_334 = arith.addi %and3A_270, %add3A_333 : vector<16xi32>
          %select_n3A_335 = arith.select %lt3A_331, %add3A_334, %and3A_270 : vector<16xi1>, vector<16xi32>
          %broadcast_in_dim3A_336 = vector.shape_cast %select_n3A_335 : vector<16xi32> to vector<16x1xi32>
          %gather3A_337 = vector.shape_cast %broadcast_in_dim3A_336 : vector<16x1xi32> to vector<16xi32>
          %gather3A_338 = tpu.dynamic_gather %get3A_11[%gather3A_337] in [0] : vector<16xf32>, vector<16xi32> -> vector<16xf32>
          %mul3A_339 = arith.mulf %gather3A_328, %gather3A_338 : vector<16xf32>
          %add3A_340 = arith.addf %scan3A_261, %mul3A_339 : vector<16xf32>
          %mul3A_341 = arith.mulf %gather3A_328, %gather3A_328 : vector<16xf32>
          %add3A_342 = arith.addf %scan3A_265, %mul3A_341 : vector<16xf32>
          %add3A_343 = arith.constant 64 : i32
          %add3A_344 = vector.broadcast %add3A_343 : i32 to vector<16xi32>
          %add3A_345 = arith.addi %and3A_270, %add3A_344 : vector<16xi32>
          %gather3A_346 = tpu.vector_load_idx %arg6[%add3A_195, %add3A_345] : memref<320x256xf32, #tpu.memory_space<vmem>>[vector<16xi32>, vector<16xi32>], vector<16xf32>,
          %lt3A_347 = arith.constant 0 : i32
          %lt3A_348 = vector.broadcast %lt3A_347 : i32 to vector<16xi32>
          %lt3A_349 = arith.cmpi slt, %and3A_270, %lt3A_348 : vector<16xi32>
          %add3A_350 = arith.constant 16 : i32
          %add3A_351 = vector.broadcast %add3A_350 : i32 to vector<16xi32>
          %add3A_352 = arith.addi %and3A_270, %add3A_351 : vector<16xi32>
          %select_n3A_353 = arith.select %lt3A_349, %add3A_352, %and3A_270 : vector<16xi1>, vector<16xi32>
          %broadcast_in_dim3A_354 = vector.shape_cast %select_n3A_353 : vector<16xi32> to vector<16x1xi32>
          %gather3A_355 = vector.shape_cast %broadcast_in_dim3A_354 : vector<16x1xi32> to vector<16xi32>
          %gather3A_356 = tpu.dynamic_gather %get3A_13[%gather3A_355] in [0] : vector<16xf32>, vector<16xi32> -> vector<16xf32>
          %mul3A_357 = arith.mulf %gather3A_346, %gather3A_356 : vector<16xf32>
          %add3A_358 = arith.addf %add3A_286, %mul3A_357 : vector<16xf32>
          %mul3A_359 = arith.mulf %gather3A_346, %gather3A_346 : vector<16xf32>
          %add3A_360 = arith.addf %add3A_288, %mul3A_359 : vector<16xf32>
          %add3A_361 = arith.constant 80 : i32
          %add3A_362 = vector.broadcast %add3A_361 : i32 to vector<16xi32>
          %add3A_363 = arith.addi %and3A_270, %add3A_362 : vector<16xi32>
          %gather3A_364 = tpu.vector_load_idx %arg6[%add3A_195, %add3A_363] : memref<320x256xf32, #tpu.memory_space<vmem>>[vector<16xi32>, vector<16xi32>], vector<16xf32>,
          %lt3A_365 = arith.constant 0 : i32
          %lt3A_366 = vector.broadcast %lt3A_365 : i32 to vector<16xi32>
          %lt3A_367 = arith.cmpi slt, %and3A_270, %lt3A_366 : vector<16xi32>
          %add3A_368 = arith.constant 16 : i32
          %add3A_369 = vector.broadcast %add3A_368 : i32 to vector<16xi32>
          %add3A_370 = arith.addi %and3A_270, %add3A_369 : vector<16xi32>
          %select_n3A_371 = arith.select %lt3A_367, %add3A_370, %and3A_270 : vector<16xi1>, vector<16xi32>
          %broadcast_in_dim3A_372 = vector.shape_cast %select_n3A_371 : vector<16xi32> to vector<16x1xi32>
          %gather3A_373 = vector.shape_cast %broadcast_in_dim3A_372 : vector<16x1xi32> to vector<16xi32>
          %gather3A_374 = tpu.dynamic_gather %get3A_15[%gather3A_373] in [0] : vector<16xf32>, vector<16xi32> -> vector<16xf32>
          %mul3A_375 = arith.mulf %gather3A_364, %gather3A_374 : vector<16xf32>
          %add3A_376 = arith.addf %add3A_304, %mul3A_375 : vector<16xf32>
          %mul3A_377 = arith.mulf %gather3A_364, %gather3A_364 : vector<16xf32>
          %add3A_378 = arith.addf %add3A_306, %mul3A_377 : vector<16xf32>
          %add3A_379 = arith.constant 96 : i32
          %add3A_380 = vector.broadcast %add3A_379 : i32 to vector<16xi32>
          %add3A_381 = arith.addi %and3A_270, %add3A_380 : vector<16xi32>
          %gather3A_382 = tpu.vector_load_idx %arg6[%add3A_195, %add3A_381] : memref<320x256xf32, #tpu.memory_space<vmem>>[vector<16xi32>, vector<16xi32>], vector<16xf32>,
          %lt3A_383 = arith.constant 0 : i32
          %lt3A_384 = vector.broadcast %lt3A_383 : i32 to vector<16xi32>
          %lt3A_385 = arith.cmpi slt, %and3A_270, %lt3A_384 : vector<16xi32>
          %add3A_386 = arith.constant 16 : i32
          %add3A_387 = vector.broadcast %add3A_386 : i32 to vector<16xi32>
          %add3A_388 = arith.addi %and3A_270, %add3A_387 : vector<16xi32>
          %select_n3A_389 = arith.select %lt3A_385, %add3A_388, %and3A_270 : vector<16xi1>, vector<16xi32>
          %broadcast_in_dim3A_390 = vector.shape_cast %select_n3A_389 : vector<16xi32> to vector<16x1xi32>
          %gather3A_391 = vector.shape_cast %broadcast_in_dim3A_390 : vector<16x1xi32> to vector<16xi32>
          %gather3A_392 = tpu.dynamic_gather %get3A_17[%gather3A_391] in [0] : vector<16xf32>, vector<16xi32> -> vector<16xf32>
          %mul3A_393 = arith.mulf %gather3A_382, %gather3A_392 : vector<16xf32>
          %add3A_394 = arith.addf %add3A_322, %mul3A_393 : vector<16xf32>
          %mul3A_395 = arith.mulf %gather3A_382, %gather3A_382 : vector<16xf32>
          %add3A_396 = arith.addf %add3A_324, %mul3A_395 : vector<16xf32>
          %add3A_397 = arith.constant 112 : i32
          %add3A_398 = vector.broadcast %add3A_397 : i32 to vector<16xi32>
          %add3A_399 = arith.addi %and3A_270, %add3A_398 : vector<16xi32>
          %gather3A_400 = tpu.vector_load_idx %arg6[%add3A_195, %add3A_399] : memref<320x256xf32, #tpu.memory_space<vmem>>[vector<16xi32>, vector<16xi32>], vector<16xf32>,
          %lt3A_401 = arith.constant 0 : i32
          %lt3A_402 = vector.broadcast %lt3A_401 : i32 to vector<16xi32>
          %lt3A_403 = arith.cmpi slt, %and3A_270, %lt3A_402 : vector<16xi32>
          %add3A_404 = arith.constant 16 : i32
          %add3A_405 = vector.broadcast %add3A_404 : i32 to vector<16xi32>
          %add3A_406 = arith.addi %and3A_270, %add3A_405 : vector<16xi32>
          %select_n3A_407 = arith.select %lt3A_403, %add3A_406, %and3A_270 : vector<16xi1>, vector<16xi32>
          %broadcast_in_dim3A_408 = vector.shape_cast %select_n3A_407 : vector<16xi32> to vector<16x1xi32>
          %gather3A_409 = vector.shape_cast %broadcast_in_dim3A_408 : vector<16x1xi32> to vector<16xi32>
          %gather3A_410 = tpu.dynamic_gather %get3A_19[%gather3A_409] in [0] : vector<16xf32>, vector<16xi32> -> vector<16xf32>
          %mul3A_411 = arith.mulf %gather3A_400, %gather3A_410 : vector<16xf32>
          %add3A_412 = arith.addf %add3A_340, %mul3A_411 : vector<16xf32>
          %mul3A_413 = arith.mulf %gather3A_400, %gather3A_400 : vector<16xf32>
          %add3A_414 = arith.addf %add3A_342, %mul3A_413 : vector<16xf32>
          %add3A_415 = arith.constant 128 : i32
          %add3A_416 = vector.broadcast %add3A_415 : i32 to vector<16xi32>
          %add3A_417 = arith.addi %and3A_270, %add3A_416 : vector<16xi32>
          %gather3A_418 = tpu.vector_load_idx %arg6[%add3A_195, %add3A_417] : memref<320x256xf32, #tpu.memory_space<vmem>>[vector<16xi32>, vector<16xi32>], vector<16xf32>,
          %lt3A_419 = arith.constant 0 : i32
          %lt3A_420 = vector.broadcast %lt3A_419 : i32 to vector<16xi32>
          %lt3A_421 = arith.cmpi slt, %and3A_270, %lt3A_420 : vector<16xi32>
          %add3A_422 = arith.constant 16 : i32
          %add3A_423 = vector.broadcast %add3A_422 : i32 to vector<16xi32>
          %add3A_424 = arith.addi %and3A_270, %add3A_423 : vector<16xi32>
          %select_n3A_425 = arith.select %lt3A_421, %add3A_424, %and3A_270 : vector<16xi1>, vector<16xi32>
          %broadcast_in_dim3A_426 = vector.shape_cast %select_n3A_425 : vector<16xi32> to vector<16x1xi32>
          %gather3A_427 = vector.shape_cast %broadcast_in_dim3A_426 : vector<16x1xi32> to vector<16xi32>
          %gather3A_428 = tpu.dynamic_gather %get3A_21[%gather3A_427] in [0] : vector<16xf32>, vector<16xi32> -> vector<16xf32>
          %mul3A_429 = arith.mulf %gather3A_418, %gather3A_428 : vector<16xf32>
          %add3A_430 = arith.addf %add3A_358, %mul3A_429 : vector<16xf32>
          %mul3A_431 = arith.mulf %gather3A_418, %gather3A_418 : vector<16xf32>
          %add3A_432 = arith.addf %add3A_360, %mul3A_431 : vector<16xf32>
          %add3A_433 = arith.constant 144 : i32
          %add3A_434 = vector.broadcast %add3A_433 : i32 to vector<16xi32>
          %add3A_435 = arith.addi %and3A_270, %add3A_434 : vector<16xi32>
          %gather3A_436 = tpu.vector_load_idx %arg6[%add3A_195, %add3A_435] : memref<320x256xf32, #tpu.memory_space<vmem>>[vector<16xi32>, vector<16xi32>], vector<16xf32>,
          %lt3A_437 = arith.constant 0 : i32
          %lt3A_438 = vector.broadcast %lt3A_437 : i32 to vector<16xi32>
          %lt3A_439 = arith.cmpi slt, %and3A_270, %lt3A_438 : vector<16xi32>
          %add3A_440 = arith.constant 16 : i32
          %add3A_441 = vector.broadcast %add3A_440 : i32 to vector<16xi32>
          %add3A_442 = arith.addi %and3A_270, %add3A_441 : vector<16xi32>
          %select_n3A_443 = arith.select %lt3A_439, %add3A_442, %and3A_270 : vector<16xi1>, vector<16xi32>
          %broadcast_in_dim3A_444 = vector.shape_cast %select_n3A_443 : vector<16xi32> to vector<16x1xi32>
          %gather3A_445 = vector.shape_cast %broadcast_in_dim3A_444 : vector<16x1xi32> to vector<16xi32>
          %gather3A_446 = tpu.dynamic_gather %get3A_23[%gather3A_445] in [0] : vector<16xf32>, vector<16xi32> -> vector<16xf32>
          %mul3A_447 = arith.mulf %gather3A_436, %gather3A_446 : vector<16xf32>
          %add3A_448 = arith.addf %add3A_376, %mul3A_447 : vector<16xf32>
          %mul3A_449 = arith.mulf %gather3A_436, %gather3A_436 : vector<16xf32>
          %add3A_450 = arith.addf %add3A_378, %mul3A_449 : vector<16xf32>
          %add3A_451 = arith.constant 160 : i32
          %add3A_452 = vector.broadcast %add3A_451 : i32 to vector<16xi32>
          %add3A_453 = arith.addi %and3A_270, %add3A_452 : vector<16xi32>
          %gather3A_454 = tpu.vector_load_idx %arg6[%add3A_195, %add3A_453] : memref<320x256xf32, #tpu.memory_space<vmem>>[vector<16xi32>, vector<16xi32>], vector<16xf32>,
          %lt3A_455 = arith.constant 0 : i32
          %lt3A_456 = vector.broadcast %lt3A_455 : i32 to vector<16xi32>
          %lt3A_457 = arith.cmpi slt, %and3A_270, %lt3A_456 : vector<16xi32>
          %add3A_458 = arith.constant 16 : i32
          %add3A_459 = vector.broadcast %add3A_458 : i32 to vector<16xi32>
          %add3A_460 = arith.addi %and3A_270, %add3A_459 : vector<16xi32>
          %select_n3A_461 = arith.select %lt3A_457, %add3A_460, %and3A_270 : vector<16xi1>, vector<16xi32>
          %broadcast_in_dim3A_462 = vector.shape_cast %select_n3A_461 : vector<16xi32> to vector<16x1xi32>
          %gather3A_463 = vector.shape_cast %broadcast_in_dim3A_462 : vector<16x1xi32> to vector<16xi32>
          %gather3A_464 = tpu.dynamic_gather %get3A_25[%gather3A_463] in [0] : vector<16xf32>, vector<16xi32> -> vector<16xf32>
          %mul3A_465 = arith.mulf %gather3A_454, %gather3A_464 : vector<16xf32>
          %add3A_466 = arith.addf %add3A_394, %mul3A_465 : vector<16xf32>
          %mul3A_467 = arith.mulf %gather3A_454, %gather3A_454 : vector<16xf32>
          %add3A_468 = arith.addf %add3A_396, %mul3A_467 : vector<16xf32>
          %add3A_469 = arith.constant 176 : i32
          %add3A_470 = vector.broadcast %add3A_469 : i32 to vector<16xi32>
          %add3A_471 = arith.addi %and3A_270, %add3A_470 : vector<16xi32>
          %gather3A_472 = tpu.vector_load_idx %arg6[%add3A_195, %add3A_471] : memref<320x256xf32, #tpu.memory_space<vmem>>[vector<16xi32>, vector<16xi32>], vector<16xf32>,
          %lt3A_473 = arith.constant 0 : i32
          %lt3A_474 = vector.broadcast %lt3A_473 : i32 to vector<16xi32>
          %lt3A_475 = arith.cmpi slt, %and3A_270, %lt3A_474 : vector<16xi32>
          %add3A_476 = arith.constant 16 : i32
          %add3A_477 = vector.broadcast %add3A_476 : i32 to vector<16xi32>
          %add3A_478 = arith.addi %and3A_270, %add3A_477 : vector<16xi32>
          %select_n3A_479 = arith.select %lt3A_475, %add3A_478, %and3A_270 : vector<16xi1>, vector<16xi32>
          %broadcast_in_dim3A_480 = vector.shape_cast %select_n3A_479 : vector<16xi32> to vector<16x1xi32>
          %gather3A_481 = vector.shape_cast %broadcast_in_dim3A_480 : vector<16x1xi32> to vector<16xi32>
          %gather3A_482 = tpu.dynamic_gather %get3A_27[%gather3A_481] in [0] : vector<16xf32>, vector<16xi32> -> vector<16xf32>
          %mul3A_483 = arith.mulf %gather3A_472, %gather3A_482 : vector<16xf32>
          %add3A_484 = arith.addf %add3A_412, %mul3A_483 : vector<16xf32>
          %mul3A_485 = arith.mulf %gather3A_472, %gather3A_472 : vector<16xf32>
          %add3A_486 = arith.addf %add3A_414, %mul3A_485 : vector<16xf32>
          %add3A_487 = arith.constant 192 : i32
          %add3A_488 = vector.broadcast %add3A_487 : i32 to vector<16xi32>
          %add3A_489 = arith.addi %and3A_270, %add3A_488 : vector<16xi32>
          %gather3A_490 = tpu.vector_load_idx %arg6[%add3A_195, %add3A_489] : memref<320x256xf32, #tpu.memory_space<vmem>>[vector<16xi32>, vector<16xi32>], vector<16xf32>,
          %lt3A_491 = arith.constant 0 : i32
          %lt3A_492 = vector.broadcast %lt3A_491 : i32 to vector<16xi32>
          %lt3A_493 = arith.cmpi slt, %and3A_270, %lt3A_492 : vector<16xi32>
          %add3A_494 = arith.constant 16 : i32
          %add3A_495 = vector.broadcast %add3A_494 : i32 to vector<16xi32>
          %add3A_496 = arith.addi %and3A_270, %add3A_495 : vector<16xi32>
          %select_n3A_497 = arith.select %lt3A_493, %add3A_496, %and3A_270 : vector<16xi1>, vector<16xi32>
          %broadcast_in_dim3A_498 = vector.shape_cast %select_n3A_497 : vector<16xi32> to vector<16x1xi32>
          %gather3A_499 = vector.shape_cast %broadcast_in_dim3A_498 : vector<16x1xi32> to vector<16xi32>
          %gather3A_500 = tpu.dynamic_gather %get3A_29[%gather3A_499] in [0] : vector<16xf32>, vector<16xi32> -> vector<16xf32>
          %mul3A_501 = arith.mulf %gather3A_490, %gather3A_500 : vector<16xf32>
          %add3A_502 = arith.addf %add3A_430, %mul3A_501 : vector<16xf32>
          %mul3A_503 = arith.mulf %gather3A_490, %gather3A_490 : vector<16xf32>
          %add3A_504 = arith.addf %add3A_432, %mul3A_503 : vector<16xf32>
          %add3A_505 = arith.constant 208 : i32
          %add3A_506 = vector.broadcast %add3A_505 : i32 to vector<16xi32>
          %add3A_507 = arith.addi %and3A_270, %add3A_506 : vector<16xi32>
          %gather3A_508 = tpu.vector_load_idx %arg6[%add3A_195, %add3A_507] : memref<320x256xf32, #tpu.memory_space<vmem>>[vector<16xi32>, vector<16xi32>], vector<16xf32>,
          %lt3A_509 = arith.constant 0 : i32
          %lt3A_510 = vector.broadcast %lt3A_509 : i32 to vector<16xi32>
          %lt3A_511 = arith.cmpi slt, %and3A_270, %lt3A_510 : vector<16xi32>
          %add3A_512 = arith.constant 16 : i32
          %add3A_513 = vector.broadcast %add3A_512 : i32 to vector<16xi32>
          %add3A_514 = arith.addi %and3A_270, %add3A_513 : vector<16xi32>
          %select_n3A_515 = arith.select %lt3A_511, %add3A_514, %and3A_270 : vector<16xi1>, vector<16xi32>
          %broadcast_in_dim3A_516 = vector.shape_cast %select_n3A_515 : vector<16xi32> to vector<16x1xi32>
          %gather3A_517 = vector.shape_cast %broadcast_in_dim3A_516 : vector<16x1xi32> to vector<16xi32>
          %gather3A_518 = tpu.dynamic_gather %get3A_31[%gather3A_517] in [0] : vector<16xf32>, vector<16xi32> -> vector<16xf32>
          %mul3A_519 = arith.mulf %gather3A_508, %gather3A_518 : vector<16xf32>
          %add3A_520 = arith.addf %add3A_448, %mul3A_519 : vector<16xf32>
          %mul3A_521 = arith.mulf %gather3A_508, %gather3A_508 : vector<16xf32>
          %add3A_522 = arith.addf %add3A_450, %mul3A_521 : vector<16xf32>
          %add3A_523 = arith.constant 224 : i32
          %add3A_524 = vector.broadcast %add3A_523 : i32 to vector<16xi32>
          %add3A_525 = arith.addi %and3A_270, %add3A_524 : vector<16xi32>
          %gather3A_526 = tpu.vector_load_idx %arg6[%add3A_195, %add3A_525] : memref<320x256xf32, #tpu.memory_space<vmem>>[vector<16xi32>, vector<16xi32>], vector<16xf32>,
          %lt3A_527 = arith.constant 0 : i32
          %lt3A_528 = vector.broadcast %lt3A_527 : i32 to vector<16xi32>
          %lt3A_529 = arith.cmpi slt, %and3A_270, %lt3A_528 : vector<16xi32>
          %add3A_530 = arith.constant 16 : i32
          %add3A_531 = vector.broadcast %add3A_530 : i32 to vector<16xi32>
          %add3A_532 = arith.addi %and3A_270, %add3A_531 : vector<16xi32>
          %select_n3A_533 = arith.select %lt3A_529, %add3A_532, %and3A_270 : vector<16xi1>, vector<16xi32>
          %broadcast_in_dim3A_534 = vector.shape_cast %select_n3A_533 : vector<16xi32> to vector<16x1xi32>
          %gather3A_535 = vector.shape_cast %broadcast_in_dim3A_534 : vector<16x1xi32> to vector<16xi32>
          %gather3A_536 = tpu.dynamic_gather %get3A_33[%gather3A_535] in [0] : vector<16xf32>, vector<16xi32> -> vector<16xf32>
          %mul3A_537 = arith.mulf %gather3A_526, %gather3A_536 : vector<16xf32>
          %add3A_538 = arith.addf %add3A_466, %mul3A_537 : vector<16xf32>
          %mul3A_539 = arith.mulf %gather3A_526, %gather3A_526 : vector<16xf32>
          %add3A_540 = arith.addf %add3A_468, %mul3A_539 : vector<16xf32>
          %add3A_541 = arith.constant 240 : i32
          %add3A_542 = vector.broadcast %add3A_541 : i32 to vector<16xi32>
          %add3A_543 = arith.addi %and3A_270, %add3A_542 : vector<16xi32>
          %gather3A_544 = tpu.vector_load_idx %arg6[%add3A_195, %add3A_543] : memref<320x256xf32, #tpu.memory_space<vmem>>[vector<16xi32>, vector<16xi32>], vector<16xf32>,
          %lt3A_545 = arith.constant 0 : i32
          %lt3A_546 = vector.broadcast %lt3A_545 : i32 to vector<16xi32>
          %lt3A_547 = arith.cmpi slt, %and3A_270, %lt3A_546 : vector<16xi32>
          %add3A_548 = arith.constant 16 : i32
          %add3A_549 = vector.broadcast %add3A_548 : i32 to vector<16xi32>
          %add3A_550 = arith.addi %and3A_270, %add3A_549 : vector<16xi32>
          %select_n3A_551 = arith.select %lt3A_547, %add3A_550, %and3A_270 : vector<16xi1>, vector<16xi32>
          %broadcast_in_dim3A_552 = vector.shape_cast %select_n3A_551 : vector<16xi32> to vector<16x1xi32>
          %gather3A_553 = vector.shape_cast %broadcast_in_dim3A_552 : vector<16x1xi32> to vector<16xi32>
          %gather3A_554 = tpu.dynamic_gather %get3A_35[%gather3A_553] in [0] : vector<16xf32>, vector<16xi32> -> vector<16xf32>
          %mul3A_555 = arith.mulf %gather3A_544, %gather3A_554 : vector<16xf32>
          %add3A_556 = arith.addf %add3A_484, %mul3A_555 : vector<16xf32>
          %mul3A_557 = arith.mulf %gather3A_544, %gather3A_544 : vector<16xf32>
          %add3A_558 = arith.addf %add3A_486, %mul3A_557 : vector<16xf32>
          scf.yield %add3A_502, %add3A_520, %add3A_538, %add3A_556, %add3A_504, %add3A_522, %add3A_540, %add3A_558 : vector<16xf32>, vector<16xf32>, vector<16xf32>, vector<16xf32>, vector<16xf32>, vector<16xf32>, vector<16xf32>, vector<16xf32>
        }
        %scan3A_203 = arith.constant 16 : i32
        %add3A_204 = arith.addf %scan3A_202#0, %scan3A_202#2 : vector<16xf32>
        %add3A_205 = arith.addf %scan3A_202#4, %scan3A_202#6 : vector<16xf32>
        %add3A_206 = arith.addf %scan3A_202#1, %scan3A_202#3 : vector<16xf32>
        %add3A_207 = arith.addf %scan3A_202#5, %scan3A_202#7 : vector<16xf32>
        %add3A_208 = arith.addf %add3A_204, %add3A_206 : vector<16xf32>
        %add3A_209 = arith.addf %add3A_205, %add3A_207 : vector<16xf32>
        %bitcast3A_210 = vector.bitcast %add3A_209 : vector<16xf32> to vector<16xi32>
        %shift_right_arithmetic3A_211 = arith.constant 1 : i32
        %shift_right_arithmetic3A_212 = vector.broadcast %shift_right_arithmetic3A_211 : i32 to vector<16xi32>
        %shift_right_arithmetic3A_213 = arith.shrsi %bitcast3A_210, %shift_right_arithmetic3A_212 : vector<16xi32>
        %sub3A_214 = arith.constant 1597463007 : i32
        %sub3A_215 = vector.broadcast %sub3A_214 : i32 to vector<16xi32>
        %sub3A_216 = arith.subi %sub3A_215, %shift_right_arithmetic3A_213 : vector<16xi32>
        %bitcast3A_217 = vector.bitcast %sub3A_216 : vector<16xi32> to vector<16xf32>
        %mul3A_218 = arith.constant 5.000000e-01 : f32
        %mul3A_219 = vector.broadcast %mul3A_218 : f32 to vector<16xf32>
        %mul3A_220 = arith.mulf %mul3A_219, %add3A_209 : vector<16xf32>
        %mul3A_221 = arith.mulf %mul3A_220, %bitcast3A_217 : vector<16xf32>
        %mul3A_222 = arith.mulf %mul3A_221, %bitcast3A_217 : vector<16xf32>
        %sub3A_223 = arith.constant 1.500000e+00 : f32
        %sub3A_224 = vector.broadcast %sub3A_223 : f32 to vector<16xf32>
        %sub3A_225 = arith.subf %sub3A_224, %mul3A_222 : vector<16xf32>
        %mul3A_226 = arith.mulf %bitcast3A_217, %sub3A_225 : vector<16xf32>
        %mul3A_227 = arith.constant 5.000000e-01 : f32
        %mul3A_228 = vector.broadcast %mul3A_227 : f32 to vector<16xf32>
        %mul3A_229 = arith.mulf %mul3A_228, %add3A_209 : vector<16xf32>
        %mul3A_230 = arith.mulf %mul3A_229, %mul3A_226 : vector<16xf32>
        %mul3A_231 = arith.mulf %mul3A_230, %mul3A_226 : vector<16xf32>
        %sub3A_232 = arith.constant 1.500000e+00 : f32
        %sub3A_233 = vector.broadcast %sub3A_232 : f32 to vector<16xf32>
        %sub3A_234 = arith.subf %sub3A_233, %mul3A_231 : vector<16xf32>
        %mul3A_235 = arith.mulf %mul3A_226, %sub3A_234 : vector<16xf32>
        %mul3A_236 = arith.constant 5.000000e-01 : f32
        %mul3A_237 = vector.broadcast %mul3A_236 : f32 to vector<16xf32>
        %mul3A_238 = arith.mulf %mul3A_237, %add3A_209 : vector<16xf32>
        %mul3A_239 = arith.mulf %mul3A_238, %mul3A_235 : vector<16xf32>
        %mul3A_240 = arith.mulf %mul3A_239, %mul3A_235 : vector<16xf32>
        %sub3A_241 = arith.constant 1.500000e+00 : f32
        %sub3A_242 = vector.broadcast %sub3A_241 : f32 to vector<16xf32>
        %sub3A_243 = arith.subf %sub3A_242, %mul3A_240 : vector<16xf32>
        %mul3A_244 = arith.mulf %mul3A_235, %sub3A_243 : vector<16xf32>
        %min3A_245 = arith.constant 1.000000e+08 : f32
        %min3A_246 = vector.broadcast %min3A_245 : f32 to vector<16xf32>
        %min3A_247 = arith.minimumf %mul3A_244, %min3A_246 : vector<16xf32>
        %mul3A_248 = arith.mulf %add3A_208, %min3A_247 : vector<16xf32>
        %mul3A_249 = arith.mulf %mul3A_248, %min3A_113 : vector<16xf32>
        %mul3A_250 = arith.constant 160 : i32
        %mul3A_251 = arith.muli %scan3A_133, %mul3A_250 : i32
        %mul3A_252 = arith.constant 16 : i32
        %mul3A_253 = arith.muli %scan3A_189, %mul3A_252 : i32
        %add3A_254 = arith.addi %mul3A_251, %mul3A_253 : i32
        %swap3A = arith.index_cast %add3A_254 : i32 to index
        %swap3A_255 = tpu.vector_load %arg7[%swap3A] {strides = array<i32>} : memref<1280xf32, #tpu.memory_space<vmem>>, vector<16xf32>,
        tpu.vector_store %arg7[%swap3A], %mul3A_249 {strides = array<i32>} : memref<1280xf32, #tpu.memory_space<vmem>>, vector<16xf32>,
        %scan3A_256 = arith.constant 0 : i32
        scf.yield %scan3A_256 : i32
      }
      %scan3A_187 = arith.constant 10 : i32
      %scan3A_188 = arith.constant 0 : i32
      scf.yield %scan3A_188 : i32
    }
    %scan3A_130 = arith.constant 8 : i32
    %mul3A_131 = arith.constant 1280 : i32
    %mul3A_132 = arith.muli %add3A, %mul3A_131 : i32
    "tpu.region"() ({
      %run_scoped3A = tpu.sem_alloc : memref<!tpu.dma_semaphore, #tpu.memory_space<semaphore_mem>>
      %dma_start3A_133 = tpu.memref_slice %arg4[%mul3A_132] : memref<40960xf32, #tpu.memory_space<hbm>> -> memref<1280xf32, #tpu.memory_space<hbm>>
      %dma_start3A_134 = tpu.memref_slice %arg4[%mul3A_132] : memref<40960xf32, #tpu.memory_space<hbm>> -> memref<1280xf32, #tpu.memory_space<hbm>>
      tpu.enqueue_dma source(%arg7 : memref<1280xf32, #tpu.memory_space<vmem>>) target(%dma_start3A_134 : memref<1280xf32, #tpu.memory_space<hbm>>) target_semaphore(%run_scoped3A : memref<!tpu.dma_semaphore, #tpu.memory_space<semaphore_mem>>)
      %dma_wait3A = tpu.memref_slice %arg4[%mul3A_132] : memref<40960xf32, #tpu.memory_space<hbm>> -> memref<1280xf32, #tpu.memory_space<hbm>>
      %dma_wait3A_135 = tpu.memref_slice %arg4[%mul3A_132] : memref<40960xf32, #tpu.memory_space<hbm>> -> memref<1280xf32, #tpu.memory_space<hbm>>
      tpu.wait_dma2 semaphore(%run_scoped3A : memref<!tpu.dma_semaphore, #tpu.memory_space<semaphore_mem>>) src(%arg7 : memref<1280xf32, #tpu.memory_space<vmem>>) dst(%dma_wait3A_135 : memref<1280xf32, #tpu.memory_space<hbm>>)
      tpu.yield
    }) : () -> ()
    return
  }
}

module attributes {stable_mosaic.version = 14 : i64} {
  func.func @_tc_block(%arg0: i32, %arg1: memref<1x256xf32, #tpu.memory_space<vmem>>, %arg2: memref<9840x256xf32, #tpu.memory_space<vmem>>, %arg3: memref<1x1x9840xf32, #tpu.memory_space<vmem>>) attributes {dimension_semantics = [#tpu.dimension_semantics<arbitrary>], iteration_bounds = array<i64: 6>, scalar_prefetch = 0 : i64, scratch_operands = 0 : i64, tpu.core_type = #tpu.core_type<tc>, window_params = [{pipeline_mode = #tpu.pipeline_mode<synchronous>, transform_indices = @transform_0, window_bounds = array<i64: 1, 256>}, {transform_indices = @transform_1, window_bounds = array<i64: 9840, 256>}, {transform_indices = @transform_2, window_bounds = array<i64: 1, 1, 9840>}]} {
    %get3A = arith.constant 0 : index
    %get3A_0 = arith.constant 0 : index
    %get3A_1 = vector.load %arg2[%get3A, %get3A_0] : memref<9840x256xf32, #tpu.memory_space<vmem>>, vector<9840x256xf32>
    %get3A_2 = arith.constant 0 : index
    %get3A_3 = arith.constant 0 : index
    %get3A_4 = vector.load %arg1[%get3A_2, %get3A_3] : memref<1x256xf32, #tpu.memory_space<vmem>>, vector<1x256xf32>
    %dot_general3A = arith.constant dense<0.000000e+00> : vector<1x9840xf32>
    %dot_general3A_5 = tpu.matmul %get3A_4, %get3A_1, %dot_general3A {dimension_numbers = #tpu.dot_dimension_numbers<[1], [1], [0], [0], [0, 0, 1, 0], [], []>, transpose_lhs_hint = false} : vector<1x256xf32>, vector<9840x256xf32>, vector<1x9840xf32> -> vector<1x9840xf32>
    %broadcast_in_dim3A = arith.constant 1.000000e+00 : f32
    %broadcast_in_dim3A_6 = vector.broadcast %broadcast_in_dim3A : f32 to vector<1x256xf32>
    %mul3A = arith.mulf %get3A_1, %get3A_1 : vector<9840x256xf32>
    %dot_general3A_7 = arith.constant dense<0.000000e+00> : vector<1x9840xf32>
    %dot_general3A_8 = tpu.matmul %broadcast_in_dim3A_6, %mul3A, %dot_general3A_7 {dimension_numbers = #tpu.dot_dimension_numbers<[1], [1], [0], [0], [0, 0, 1, 0], [], []>, transpose_lhs_hint = false} : vector<1x256xf32>, vector<9840x256xf32>, vector<1x9840xf32> -> vector<1x9840xf32>
    %sqrt3A = math.sqrt %dot_general3A_8 : vector<1x9840xf32>
    %mul3A_9 = arith.mulf %get3A_4, %get3A_4 : vector<1x256xf32>
    %reduce_sum3A = vector.shape_cast %mul3A_9 : vector<1x256xf32> to vector<1x1x256xf32>
    %reduce_sum3A_10 = arith.constant dense<0.000000e+00> : vector<1xf32>
    %reduce_sum3A_11 = vector.multi_reduction <add>, %reduce_sum3A, %reduce_sum3A_10 [1, 2] : vector<1x1x256xf32> to vector<1xf32>
    %reduce_sum3A_12 = vector.shape_cast %reduce_sum3A_11 : vector<1xf32> to vector<1x1x1xf32>
    %reduce_sum3A_13 = vector.extract %reduce_sum3A_12[0, 0, 0] : f32 from vector<1x1x1xf32>
    %sqrt3A_14 = math.sqrt %reduce_sum3A_13 : f32
    %max3A = arith.constant 9.99999993E-9 : f32
    %max3A_15 = arith.maximumf %sqrt3A_14, %max3A : f32
    %max3A_16 = arith.constant 9.99999993E-9 : f32
    %max3A_17 = vector.broadcast %max3A_16 : f32 to vector<1x9840xf32>
    %max3A_18 = arith.maximumf %sqrt3A, %max3A_17 : vector<1x9840xf32>
    %mul3A_19 = vector.broadcast %max3A_15 : f32 to vector<1x9840xf32>
    %mul3A_20 = arith.mulf %mul3A_19, %max3A_18 : vector<1x9840xf32>
    %div3A = arith.divf %dot_general3A_5, %mul3A_20 : vector<1x9840xf32>
    %swap3A = arith.constant 0 : index
    %swap3A_21 = arith.constant 0 : index
    %swap3A_22 = arith.constant 0 : index
    %swap3A_23 = vector.load %arg3[%swap3A, %swap3A_21, %swap3A_22] : memref<1x1x9840xf32, #tpu.memory_space<vmem>>, vector<1x1x9840xf32>
    %swap3A_24 = vector.shape_cast %swap3A_23 : vector<1x1x9840xf32> to vector<1x9840xf32>
    %swap3A_25 = vector.shape_cast %div3A : vector<1x9840xf32> to vector<1x1x9840xf32>
    tpu.vector_store %arg3[%swap3A, %swap3A_21, %swap3A_22], %swap3A_25 {strides = array<i32>} : memref<1x1x9840xf32, #tpu.memory_space<vmem>>, vector<1x1x9840xf32>,
    return
  }
  func.func @transform_0(%arg0: i32) -> (i32, i32) {
    %c0_i32 = arith.constant 0 : i32
    %c0_i32_0 = arith.constant 0 : i32
    %c0_i32_1 = arith.constant 0 : i32
    return %c0_i32, %c0_i32_0 : i32, i32
  }
  func.func @transform_1(%arg0: i32) -> (i32, i32) {
    %c0_i32 = arith.constant 0 : i32
    %c0_i32_0 = arith.constant 0 : i32
    return %arg0, %c0_i32 : i32, i32
  }
  func.func @transform_2(%arg0: i32) -> (i32, i32, i32) {
    %c0_i32 = arith.constant 0 : i32
    %c0_i32_0 = arith.constant 0 : i32
    %c0_i32_1 = arith.constant 0 : i32
    return %arg0, %c0_i32, %c0_i32_0 : i32, i32, i32
  }
}

</mosaic_0001>

<sc_bundles>
// kernel: kernel.4.cloned.1.call-start
scs
__scs_entry_jumppad:
0x0: {  	(pc) =	sbr.rel $0x88, $3  }
0x1: {  	(tag) =	ssettag $0x0;
	lr =	simm.s32 $0x1  }
0x2: {  	[smem:$0x3F9F] =	sst lr;
	_ =	strace $0xD0000000  }
0x3: {  	_ = 	snop  }
0x4: {  	_ = 	snop  }
0x5: {  	_ = 	snop  }
0x6: {  	_ = 	snop  }
0x7: {  	_ = 	snop  }
__scs_overlays_trampoline_lowered:
0x8: {  	[smem:$0x3FAE] =	sst s0  }
0x9: {  	[smem:$0x3FAF] =	sst s1  }
0xa: {  	[smem:$0x3FB0] =	sst s2  }
0xb: {  	[smem:$0x3FB1] =	sst s3  }
0xc: {  	[smem:$0x3FB2] =	sst s4  }
0xd: {  	[smem:$0x3FB3] =	sst s5  }
0xe: {  	[smem:$0x3FB4] =	sst s6  }
0xf: {  	[smem:$0x3FB5] =	sst s7  }
0x10: {  	[smem:$0x3FB6] =	sst s8  }
0x11: {  	[smem:$0x3FB7] =	sst s9;
	s0 =	simm.s32 @!p0 $0x0  }
0x12: {  	s1 =	sld [smem:$0x3F9D];
	s0 =	simm.s32 @p0 $0x1  }
0x13: {  	[smem:$0x3FB8] =	sst s0;
	s0 =	simm.s32 @!p1 $0x0  }
0x14: {  	s2 =	sld [smem:$0x3F9C];
	s0 =	simm.s32 @p1 $0x1  }
0x15: {  	[smem:$0x3FB9] =	sst s0;
	s0 =	simm.s32 @!p2 $0x0  }
0x16: {  	s3 =	sld [smem:$0x3FDB];
	s0 =	simm.s32 @p2 $0x1  }
0x17: {  	s4 =	simm.s32 $0x1BF5;
	[smem:$0x3FBB] =	sst s0  }
0x18: {  	s0 =	sld [smem:$0x3F9E];
	_ =	swait.ge [sflag:s4], $0x0  }
0x19: {  	s7 =	sld [smem:$0x3F9F]  }
0x1a: {  	s8 =	sadd.s32 $0xFFFFE003, lr  }
0x1b: {  	s9 =	sadd.s32 $0xFFFFFEF7, lr;
	s5 =	simm.s32 $0xFFFFFFFF;
	p2 =	slt.u32 s8, $0xFFFFF086  }
0x1c: {  	p1 =	slt.u32 s9, $0xF7A;
	s5 =	simm.s32 @!p2 $0x0  }
0x1d: {  	s5 =	simm.s32 @p1 $0x1;
	p0 =	seq.s32 s7, s2  }
0x1e: {  	s7 =	smul.u32 @!p0 $0xF7A, s2;
	p2 =	seq.s32 @!p0 s5, $0x0  }
0x1f: {  	s9 =	smul.u32 $0xF7A, s1;
	s8 =	simm.s32 @!p0 $0x1BF5;
	p2 =	por !p2, p0  }
0x20: {  	[sflag:s8] =	ssyncset.s32 @!p0 $0xFFFFF086;
	s6 =	sadd.s32 @!p0 s3, s7;
	s7 =	simm.s32 @!p0 $0x108  }
0x21: {  	s3 =	sadd.s32 s3, s9;
	s6 =	sadd.s32 @!p0 $0x88, s6;
	s7 =	simm.s32 @p2 $0x1082  }
0x22: {  	[simem:s7], [sflag:s8] =	dma.local @!p0 [hbm:s6], $0xF7A  }
0x23: {  	s9 =	sor.u32 $0xD0000000, s2;
	s6 =	simm.s32 $0x108;
	_ =	swait.ge @!p0 [sflag:s8], $0x0  }
0x24: {  	s3 =	sadd.s32 $0x88, s3;
	s6 =	simm.s32 @!p1 $0x1082;
	[sflag:s4] =	ssyncset.s32 $0xFFFFF086  }
0x25: {  	[simem:s6], [sflag:s4] =	dma.local [hbm:s3], $0xF7A  }
0x26: {  	[smem:$0x3F9F] =	sst s1;
	(tag) =	ssettag s2;
	_ =	strace s9  }
0x27: {  	s1 =	sld [smem:$0x3FAF]  }
0x28: {  	s2 =	sld [smem:$0x3FB0]  }
0x29: {  	s4 =	sld [smem:$0x3FB2]  }
0x2a: {  	p0 =	seq.s32 s5, $0x0;
	s5 =	sld [smem:$0x3FB3]  }
0x2b: {  	s6 =	sld [smem:$0x3FB4]  }
0x2c: {  	s7 =	sld [smem:$0x3FB5]  }
0x2d: {  	s3 =	simm.s32 $0x108;
	s8 =	sld [smem:$0x3FB6]  }
0x2e: {  	s3 =	simm.s32 @!p0 $0x1082;
	s9 =	sld [smem:$0x3FB7]  }
0x2f: {  	lr =	sadd.s32 s0, s3;
	s0 =	sld [smem:$0x3FAE]  }
0x30: {  	s3 =	sld [smem:$0x3FB1]  }
0x31: {  	[smem:$0x3FBA] =	sst s10  }
0x32: {  	s10 =	sld [smem:$0x3FB8];
	_ =	sdelay $0x3  }
0x33: {  	p0 =	seq.s32 s10, $0x1;
	s10 =	sld [smem:$0x3FBA];
	_ =	sdelay $0x3  }
0x34: {  	[smem:$0x3FBA] =	sst s10  }
0x35: {  	s10 =	sld [smem:$0x3FB9];
	_ =	sdelay $0x3  }
0x36: {  	p1 =	seq.s32 s10, $0x1;
	s10 =	sld [smem:$0x3FBA];
	_ =	sdelay $0x3  }
0x37: {  	[smem:$0x3FBA] =	sst s10  }
0x38: {  	s10 =	sld [smem:$0x3FBB]  }
0x39: {  	_ = 	snop;
	(pc) =	sbr.ind lr, $3  }
0x3a: {  	_ = 	snop  }
0x3b: {  	_ = 	snop  }
0x3c: {  	p2 =	seq.s32 s10, $0x1;
	s10 =	sld [smem:$0x3FBA]  }
0x3d: {  	_ =	shalt  }
0x3e: {  	_ =	shalt  }
0x3f: {  	_ =	shalt  }
0x40: {  	_ =	shalt  }
0x41: {  	_ =	shalt  }
0x42: {  	_ =	shalt  }
0x43: {  	_ =	shalt  }
0x44: {  	_ =	shalt  }
0x45: {  	_ =	shalt  }
0x46: {  	_ =	shalt  }
0x47: {  	_ =	shalt  }
0x48: {  	_ =	shalt  }
0x49: {  	_ =	shalt  }
0x4a: {  	_ =	shalt  }
0x4b: {  	_ =	shalt  }
0x4c: {  	_ =	shalt  }
0x4d: {  	_ =	shalt  }
0x4e: {  	_ =	shalt  }
0x4f: {  	_ =	shalt  }
0x50: {  	_ =	shalt  }
0x51: {  	_ =	shalt  }
0x52: {  	_ =	shalt  }
0x53: {  	_ =	shalt  }
0x54: {  	_ =	shalt  }
0x55: {  	_ =	shalt  }
0x56: {  	_ =	shalt  }
0x57: {  	_ =	shalt  }
0x58: {  	_ =	shalt  }
0x59: {  	_ =	shalt  }
0x5a: {  	_ =	shalt  }
0x5b: {  	_ =	shalt  }
0x5c: {  	_ =	shalt  }
0x5d: {  	_ =	shalt  }
0x5e: {  	_ =	shalt  }
0x5f: {  	_ =	shalt  }
0x60: {  	_ =	shalt  }
0x61: {  	_ =	shalt  }
0x62: {  	_ =	shalt  }
0x63: {  	_ =	shalt  }
0x64: {  	_ =	shalt  }
0x65: {  	_ =	shalt  }
0x66: {  	_ =	shalt  }
0x67: {  	_ =	shalt  }
0x68: {  	_ =	shalt  }
0x69: {  	_ =	shalt  }
0x6a: {  	_ =	shalt  }
0x6b: {  	_ =	shalt  }
0x6c: {  	_ =	shalt  }
0x6d: {  	_ =	shalt  }
0x6e: {  	_ =	shalt  }
0x6f: {  	_ =	shalt  }
0x70: {  	_ =	shalt  }
0x71: {  	_ =	shalt  }
0x72: {  	_ =	shalt  }
0x73: {  	_ =	shalt  }
0x74: {  	_ =	shalt  }
0x75: {  	_ =	shalt  }
0x76: {  	_ =	shalt  }
0x77: {  	_ =	shalt  }
0x78: {  	_ =	shalt  }
0x79: {  	_ =	shalt  }
0x7a: {  	_ =	shalt  }
0x7b: {  	_ =	shalt  }
0x7c: {  	_ =	shalt  }
0x7d: {  	_ =	shalt  }
0x7e: {  	_ =	shalt  }
0x7f: {  	_ =	shalt  }
0x80: {  	_ =	shalt  }
0x81: {  	_ =	shalt  }
0x82: {  	_ =	shalt  }
0x83: {  	_ =	shalt  }
0x84: {  	_ =	shalt  }
0x85: {  	_ =	shalt  }
0x86: {  	_ =	shalt  }
0x87: {  	_ =	shalt  }
.Lfunc_end0:
.L_simem_size_0:
called_computation_lowered:
.L_overlay_start_0:
0x88: {  	s2 =	sld [smem:$0x3FD9]  }
0x89: {  	s3 =	sld [smem:$0x3FFE];
	_ =	sdelay $0x1  }
0x8a: {  	s1 =	srdreg.scid  }
0x8b: {  	s0 =	sand.u32 $0x1, s1  }
0x8c: {  	s17 =	sshll.u32 s0, $0xA;
	s2 =	sadd.s32 s3, s2  }
0x8d: {  	s2 =	sadd.s32 s2, s17  }
0x8e: {  	[smem:$0x3FC6] =	sst s2  }
0x8f: {  	_ = 	snop  }
0x90: {  	s2 =	sld [smem:$0x3FC9]  }
0x91: {  	s18 =	sld [smem:$0x3FC8];
	(tm) =	ssettm $0x1  }
0x92: {  	s4 =	sld [smem:$0x3FFB];
	_ =	sdelay $0x3  }
0x93: {  	_ =	strace s4  }
0x94: {  	s4 =	sld [smem:$0x3FFC];
	_ =	sdelay $0x3  }
0x95: {  	_ =	strace s4  }
0x96: {  	s4 =	sld [smem:$0x3FFD];
	_ =	sdelay $0x3  }
0x97: {  	_ =	strace s4  }
0x98: {  	_ =	strace $0x8FFFFFFF  }
0x99: {  	s19 =	sld [smem:$0x3FDB];
	_ =	sdelay $0x1  }
0x9a: {  	s5 =	simm.s32 $_scs_section_size  }
0x9b: {  	s6 =	simm.s32 $_size__tile_overlayer_lowered;
	s7 =	simm.s32 $_tile_overlayer_lowered  }
0x9c: {  	s22 =	simm.s32 $0x1BFF;
	s21 =	sshll.u32 s7, $0x1;
	s4 =	sadd.s32 s5, s19  }
0x9d: {  	s8 =	simm.s32 $0x0;
	s20 =	sshll.u32 s6, $0x1;
	s6 =	sadd.s32 s21, s4  }
0x9e: {  	[timem:s8], [sflag:s22] =	dma.local [hbm:s6], s20  }
0x9f: {  	_ =	swait.ge [sflag:s22], s20  }
0xa0: {  	s5 =	ssub.s32 $0x0, s20;
	[sflag:s22] =	ssyncset.done $0x0  }
0xa1: {  	[sflag:s22] =	ssyncadd.s32 s5;
	_ =	sdelay $0x1  }
0xa2: {  	s23 =	simm.s32 $0x1B8B  }
0xa3: {  	_ =	swait.ge [sflag:s23], $0x1  }
0xa4: {  	[sflag:s23] =	ssyncset.done $0x0  }
0xa5: {  	s25 =	simm.s32 $0x1B8E;
	s24 =	sld [smem:$0x3FFE];
	[sflag:s23] =	ssyncadd.s32 $0xFFFFFFFF  }
0xa6: {  	s26 =	simm.s32 $execute0_lowered;
	[smem:$0x3FD2] =	sst s25  }
0xa7: {  	s6 =	sshll.u32 s26, $0x1;
	_ =	strace $0x80000046;
	[dreg:$0x1] =	wrdreg $0xFFFFFFFF  }
0xa8: {  	s28 =	simm.s32 $_size_execute0_lowered;
	s4 =	sadd.s32 s4, s6;
	[dreg:$0x0] =	wrdreg $0x0  }
0xa9: {  	s6 =	sshll.u32 s28, $0x1;
	[dreg:$0x2] =	wrdreg s4  }
0xaa: {  	[dreg:$0x3] =	wrdreg s6  }
0xab: {  	[dreg:$0x4] =	wrdreg $0xC0  }
0xac: {  	_ =	task [dreg:s8], $0x5FFFF  }
0xad: {  	[dreg:$0x1] =	wrdreg $0xFFFFFFFF  }
0xae: {  	[dreg:$0x0] =	wrdreg $0x60  }
0xaf: {  	[dreg:$0x2] =	wrdreg s2  }
0xb0: {  	[dreg:$0x3] =	wrdreg s18  }
0xb1: {  	[dreg:$0x4] =	wrdreg s24  }
0xb2: {  	[dreg:$0x5] =	wrdreg $0x9  }
0xb3: {  	_ =	task.clear_ibuf [dreg:s8], $0x6FFFF;
	_ =	strace $0x90000046  }
0xb4: {  	s29 =	simm.s32 $0x9;
	_ =	strace $0x80000048  }
0xb5: {  	_ =	swait.ge [sflag:s29], $0x1  }
0xb6: {  	[sflag:s29] =	ssyncadd.s32 $0xFFFFFFFF  }
0xb7: {  	_ =	strace $0x90000048  }
0xb8: {  	_ =	sfence  }
0xb9: {  	s30 =	sld [smem:$0x0];
	_ =	sdelay $0x2  }
0xba: {  	s31 =	sshll.u32 s1, $0xD;
	s1 =	sshrl.u32 s1, $0x2  }
0xbb: {  	s3 =	sand.u32 $0x4000, s31;
	s1 =	sadd.s32 s1, s30  }
0xbc: {  	s0 =	sor.u32 s3, s0;
	s1 =	sshll.u32 s1, $0x11  }
0xbd: {  	s0 =	sor.u32 s1, s0  }
0xbe: {  	s0 =	sadd.s32 $0x8F2B, s0  }
0xbf: {  	[sflag:s0] =	ssyncadd.remote.s32 $0x1  }
0xc0: {  	_ =	sfence.sel $0xFFFF  }
0xc1: {  	[dreg:$0x0] =	wrdreg $0xFFFFFFFF;
	(pc) =	sbr.abs _section_cstart, $3  }
0xc2: {  	[dreg:$0x1] =	wrdreg $0xFFFFFFFF  }
0xc3: {  	_ =	task.clear_ibuf [dreg:s8], $0x2FFFF;
	_ =	strace $0x9FFFFFFF  }
0xc4: {  	(tm) =	ssettm $0x7FFFFFFF  }
0xc5: {  	_ =	shalt  }
tec
execute0_lowered:
.L_overlay_start_1:
0x0: {  	(tag) =	ssettag $0x1  }
0x1: {  	s1 =	rddreg [dreg:$0x0]  }
0x2: {  	s2 =	rddreg [dreg:$0x1];
	v3 =	vlaneseq.u32  }
0x3: {  	s6 =	rddreg [dreg:$0x2];
	s4 =	simm.s32 $0x0;
	v0 =	vand.u32 $0x7, v3;
	v1 =	vmul.u32 $0x100, v3  }
0x4: {  	s3 =	srdreg.scid;
	[smem:$0x7FF] =	sst s4;
	v0 =	vmul.u32 $0x80, v0  }
0x5: {  	s5 =	sand.u32 $0x1, s3;
	s3 =	rddreg [dreg:$0x3];
	_ =	strace $0x80000047;
	[tilespmem:$0x1FF40] =	vst v1  }
0x6: {  	v1 =	vor.u32 $0x10, v0;
	[tilespmem:$0x1FFD0] =	vst v0  }
0x7: {  	v5 =	vor.u32 $0x450, v0;
	[tilespmem:$0x1FF50] =	vst v1  }
0x8: {  	v6 =	vor.u32 $0x470, v0;
	[tilespmem:$0x1FFE0] =	vst v5  }
0x9: {  	s0 =	stileid.u32;
	v1 =	vor.u32 $0x20, v0;
	[tilespmem:$0x1FFF0] =	vst v6  }
0xa: {  	s7 =	sshll.u32 s0, $0x1;
	[tilespmem:$0x1FF60] =	vst v1;
	v1 =	vor.u32 $0x30, v0  }
0xb: {  	s10 =	simm.s32 $0x100;
	s7 =	sor.u32 s5, s7;
	[tilespmem:$0x1FF70] =	vst v1;
	v1 =	vor.u32 $0x40, v0  }
0xc: {  	s11 =	simm.s32 $0x1;
	s9 =	ssub.s32 $0x2, s5;
	s7 =	smul.u32 $0x500, s7;
	[tilespmem:$0x1FF80] =	vst v1;
	v1 =	vor.u32 $0x50, v0  }
0xd: {  	s12 =	simm.s32 $0x14100;
	s13 =	simm.s32 $0x0;
	s30 =	sshrl.u32 s9, $0x1;
	[tilespmem:$0x1FF90] =	vst v1;
	v1 =	vor.u32 $0x60, v0  }
0xe: {  	s9 =	ssub.s32 s9, s30;
	s8 =	sshrl.u32 s7, $0x3;
	s5 =	sadd.s32 $0xE6A0, s7;
	[tilespmem:$0x1FFA0] =	vst v1;
	v1 =	vor.u32 $0x70, v0  }
0xf: {  	v23 =	vor.u32 $0x410, v0;
	v22 =	vor.u32 $0x420, v0;
	s29 =	sadd.s32 s8, s6;
	s31 =	sshll.u32 s5, $0x5;
	s8 =	smax.u32 s9, $0x1;
	[tilespmem:$0x1FFB0] =	vst v1;
	v1 =	vor.u32 $0x400, v0  }
0x10: {  	v25 =	vor.u32 $0x430, v0;
	v26 =	vor.u32 $0x440, v0;
	v27 =	vor.u32 $0x460, v0;
	s9 =	simm.s32 $0x2;
	s6 =	sadd.s32 s2, s31;
	s7 =	sadd.s32 $0x200, s29;
	[tilespmem:$0x1FFC0] =	vst v1  }
.LBB2_1:
0x11: {  	[tilespmem:s4], [sflag:$0x2] =	stream.linear.gather [hbm4b:s1+s4], $0x100, $0x38;
	[tilespmem:$0x14600] =	vst v63  }
0x12: {  	_ =	swait.ge [sflag:s9], $0x100  }
0x13: {  	[sflag:s9] =	ssyncset.done $0x0  }
0x14: {  	[sflag:s9] =	ssyncadd.s32 $0xFFFFFF00  }
0x15: {  	v30 =	vld [tilespmem:$0x0]  }
0x16: {  	v31 =	vld [tilespmem:$0x10];
	_ =	sdelay $0x1  }
0x17: {  	v32 =	vld [tilespmem:$0x20];
	_ =	sdelay $0x1  }
0x18: {  	v33 =	vld [tilespmem:$0x30]  }
0x19: {  	v0 =	vmul.f32 v30, v30;
	v1 =	vmul.f32 v31, v31  }
0x1a: {  	v34 =	vld [tilespmem:$0x40]  }
0x1b: {  	v0 =	vadd.f32 v1, v0;
	v1 =	vmul.f32 v32, v32  }
0x1c: {  	v11 =	vld [tilespmem:$0x50]  }
0x1d: {  	v0 =	vadd.f32 v1, v0;
	v1 =	vmul.f32 v33, v33  }
0x1e: {  	v16 =	vld [tilespmem:$0x60]  }
0x1f: {  	v0 =	vadd.f32 v1, v0;
	v1 =	vmul.f32 v34, v34  }
0x20: {  	v15 =	vld [tilespmem:$0x70]  }
0x21: {  	v0 =	vadd.f32 v1, v0;
	v1 =	vmul.f32 v11, v11  }
0x22: {  	v7 =	vld [tilespmem:$0x80]  }
0x23: {  	v0 =	vadd.f32 v1, v0;
	v1 =	vmul.f32 v16, v16  }
0x24: {  	v9 =	vld [tilespmem:$0x90]  }
0x25: {  	v0 =	vadd.f32 v1, v0;
	v1 =	vmul.f32 v15, v15  }
0x26: {  	v28 =	vld [tilespmem:$0xA0]  }
0x27: {  	v0 =	vadd.f32 v1, v0;
	v1 =	vmul.f32 v7, v7  }
0x28: {  	v12 =	vld [tilespmem:$0xB0]  }
0x29: {  	v0 =	vadd.f32 v1, v0;
	v1 =	vmul.f32 v9, v9  }
0x2a: {  	v10 =	vld [tilespmem:$0xC0]  }
0x2b: {  	v0 =	vadd.f32 v1, v0;
	v1 =	vmul.f32 v28, v28  }
0x2c: {  	v13 =	vld [tilespmem:$0xD0]  }
0x2d: {  	v0 =	vadd.f32 v1, v0;
	v1 =	vmul.f32 v12, v12  }
0x2e: {  	v14 =	vld [tilespmem:$0xE0]  }
0x2f: {  	v0 =	vadd.f32 v1, v0;
	v1 =	vmul.f32 v10, v10  }
0x30: {  	v29 =	vld [tilespmem:$0xF0]  }
0x31: {  	v0 =	vadd.f32 v1, v0;
	v1 =	vmul.f32 v13, v13;
	_ =	sdelay $0x1  }
0x32: {  	v0 =	vadd.f32 v1, v0;
	v1 =	vmul.f32 v14, v14;
	_ =	sdelay $0x1  }
0x33: {  	v0 =	vadd.f32 v1, v0;
	v1 =	vmul.f32 v29, v29;
	_ =	sdelay $0x1  }
0x34: {  	v0 =	vadd.f32 v1, v0;
	_ =	sdelay $0x1  }
0x35: {  	(xrf2) =	vadd.scan.msk.f32 $0xffff, v0;
	_ =	sdelay $0x9  }
0x36: {  	v1 =	vimm.s32 $0xF;
	v0, _, _ =	vpop (xrf2)  }
0x37: {  	v0 =	vperm.xlane v0, v1;
	_ =	sdelay $0x1  }
0x38: {  	v1 =	vshra.s32 v0, $0x1;
	v0 =	vmul.f32 $5.000000000e-01, v0  }
0x39: {  	v1 =	vsub.s32 $0x5F3759DF, v1  }
0x3a: {  	v2 =	vmul.f32 v1, v0;
	_ =	sdelay $0x1  }
0x3b: {  	v2 =	vmul.f32 v1, v2;
	_ =	sdelay $0x1  }
0x3c: {  	v2 =	vsub.f32 $1.500000000e+00, v2;
	_ =	sdelay $0x1  }
0x3d: {  	v1 =	vmul.f32 v1, v2;
	_ =	sdelay $0x1  }
0x3e: {  	v2 =	vmul.f32 v1, v0;
	_ =	sdelay $0x1  }
0x3f: {  	v2 =	vmul.f32 v2, v1;
	_ =	sdelay $0x1  }
0x40: {  	v2 =	vsub.f32 $1.500000000e+00, v2;
	_ =	sdelay $0x1  }
0x41: {  	v1 =	vmul.f32 v2, v1  }
0x42: {  	[tilespmem:s10], [sflag:$0x1] =	stream.linear.gather [hbm4b:s6+s4], $0xA000, $0x38;
	[tilespmem:$0x14600] =	vst v63  }
0x43: {  	[tilespmem:$0x1FEB0] =	vst v10;
	v0 =	vmul.f32 v1, v0  }
0x44: {  	[tilespmem:$0x1FEC0] =	vst v12  }
0x45: {  	[tilespmem:$0x1FED0] =	vst v7;
	v0 =	vmul.f32 v0, v1  }
0x46: {  	[tilespmem:$0x1FEE0] =	vst v13  }
0x47: {  	[tilespmem:$0x1FEF0] =	vst v14;
	v0 =	vsub.f32 $1.500000000e+00, v0  }
0x48: {  	[tilespmem:$0x1FF00] =	vst v9  }
0x49: {  	[tilespmem:$0x1FF10] =	vst v11;
	v0 =	vmul.f32 v0, v1  }
0x4a: {  	[tilespmem:$0x1FF20] =	vst v15  }
0x4b: {  	[tilespmem:$0x1FF30] =	vst v16;
	v0 =	vmin.f32 v0, $1.000000000e+08  }
0x4c: {  	s14 =	simm.s32 $0x0;
	[tilespmem:$0x1FEA0] =	vst v0  }
.LBB2_3:
0x4d: {  	s15 =	smov.u32 s14;
	s14 =	sadd.s32 $0x1, s14  }
0x4e: {  	_ =	swait.ge [sflag:s11], $0xA000;
	p0 =	seq.s32 s15, $0x7;
	s19 =	smul.u32 $0x280, s15  }
0x4f: {  	[sflag:s11] =	ssyncset.done $0x0;
	s15 =	sand.u32 $0x1, s15;
	s17 =	smul.u32 @!p0 $0xA0, s14  }
0x50: {  	s16 =	sand.u32 @!p0 $0x1, s14;
	[sflag:s11] =	ssyncadd.s32 $0xFFFF6000;
	s18 =	simm.s32 @!p0 $0x0  }
0x51: {  	p1 =	seq.s32 @!p0 s16, $0x1;
	s16 =	simm.s32 @!p0 $0xA100;
	s17 =	sadd.s32 @!p0 s5, s17  }
0x52: {  	s30 =	sshra.s32 s19, $0x2;
	p1 =	por !p1, p0;
	s17 =	sshll.u32 @!p0 s17, $0x5  }
0x53: {  	s31 =	sadd.s32 $0x14100, s30;
	s16 =	simm.s32 @p1 $0x100;
	s17 =	sadd.s32 @!p0 s2, s17  }
0x54: {  	[tilespmem:s16], [sflag:$0x1] =	stream.linear.gather @!p0 [hbm4b:s17+s18], $0xA000, $0x38;
	[tilespmem:$0x14600] =	vst v63  }
0x55: {  	v0 =	vmov s31;
	p0 =	seq.s32 s15, $0x1;
	s15 =	simm.s32 $0xA0  }
0x56: {  	[tilespmem:$0x1FE90] =	vst v0;
	s16 =	simm.s32 $0x0;
	s17 =	simm.s32 $0x0;
	s15 =	simm.s32 @!p0 $0x0  }
.LBB2_4:
0x57: {  	v1 =	vld [tilespmem:$0x1FF40]  }
0x58: {  	s18 =	sshll.u32 s17, $0x4  }
0x59: {  	s19 =	sadd.s32 s15, s18  }
0x5a: {  	v0 =	vmov s19  }
0x5b: {  	v0 =	vshll.u32 v0, $0x8  }
0x5c: {  	v0 =	vor.u32 v1, v0  }
0x5d: {  	v39 =	vand.u32 $0x7FFFF800, v0;
	v0 =	vld [tilespmem:$0x1FFD0];
	_ =	sdelay $0x4  }
0x5e: {  	v40 =	vor.u32 v0, v39;
	v0 =	vld [tilespmem:$0x1FF50];
	_ =	sdelay $0x4  }
0x5f: {  	v41 =	vor.u32 v0, v39;
	v0 =	vld [tilespmem:$0x1FF60];
	_ =	sdelay $0x4  }
0x60: {  	v42 =	vor.u32 v0, v39;
	v0 =	vld [tilespmem:$0x1FF70];
	_ =	sdelay $0x4  }
0x61: {  	v43 =	vor.u32 v0, v39;
	v0 =	vld [tilespmem:$0x1FF80];
	_ =	sdelay $0x4  }
0x62: {  	v44 =	vor.u32 v0, v39;
	v0 =	vld [tilespmem:$0x1FF90];
	_ =	sdelay $0x4  }
0x63: {  	v47 =	vor.u32 v0, v39;
	v0 =	vld [tilespmem:$0x1FFA0];
	_ =	sdelay $0x4  }
0x64: {  	v45 =	vor.u32 v0, v39;
	v0 =	vld [tilespmem:$0x1FFB0];
	_ =	sdelay $0x4  }
0x65: {  	v49 =	vor.u32 v0, v39;
	v0 =	vld [tilespmem:$0x1FFC0];
	_ =	sdelay $0x4  }
0x66: {  	v50 =	vor.u32 v0, v39;
	v0 =	vadd.s32 s16, v3  }
0x67: {  	v38 =	vimm.f32 $0.0e+00;
	v63 =	vimm.f32 $0.0e+00;
	v1 =	vor.u32 v47, v0  }
0x68: {  	v2 =	vor.u32 v49, v0;
	v3 =	vor.u32 v41, v0;
	v8 =	vand.u32 $0xF, v0  }
0x69: {  	v4 =	vor.u32 v43, v0;
	v0 =	vor.u32 v39, v0;
	v48 =	vperm.xlane v10, v8  }
0x6a: {  	v60 =	vperm.xlane v13, v8;
	v5 =	vor.u32 v5, v0;
	v37 =	vperm.xlane v14, v8  }
0x6b: {  	v58 =	vperm.xlane v29, v8;
	v6 =	vor.u32 v6, v0;
	v62 =	vperm.xlane v7, v8  }
0x6c: {  	v59 =	vperm.xlane v9, v8;
	v10 =	vor.u32 v50, v8;
	v46 =	vperm.xlane v28, v8;
	v1 =	vld.idx.msk [tilespmem:v1+s10+$0x0], $0xffff  }
0x6d: {  	v57 =	vperm.xlane v12, v8;
	v12 =	vor.u32 v23, v0;
	v13 =	vperm.xlane v11, v8;
	v7 =	vld.idx.msk [tilespmem:v2+s10+$0x0], $0xffff  }
0x6e: {  	v51 =	vor.u32 v40, v8;
	v54 =	vperm.xlane v16, v8;
	v16 =	vperm.xlane v15, v8;
	v14 =	vld.idx.msk [tilespmem:v3+s10+$0x0], $0xffff  }
0x6f: {  	v52 =	vor.u32 v44, v8;
	v9 =	vperm.xlane v30, v8;
	v19 =	vperm.xlane v31, v8;
	v4 =	vld.idx.msk [tilespmem:v4+s10+$0x0], $0xffff  }
0x70: {  	v61 =	vperm.xlane v32, v8;
	v53 =	vperm.xlane v33, v8;
	v17 =	vor.u32 v25, v0  }
0x71: {  	v15 =	vor.u32 v39, v8;
	v2 =	vperm.xlane v34, v8;
	v11 =	vld.idx.msk [tilespmem:v5+s10+$0x0], $0xffff;
	v3 =	vmul.f32 v13, v1  }
0x72: {  	v18 =	vor.u32 v26, v15;
	v55 =	vld.idx.msk [tilespmem:v6+s10+$0x0], $0xffff;
	v0 =	vmul.f32 v1, v1;
	v56 =	vmul.f32 v16, v7  }
0x73: {  	v36 =	vld.idx.msk [tilespmem:v10+s10+$0x0], $0xffff;
	v6 =	vimm.f32 $0.0e+00;
	v7 =	vmul.f32 v7, v7;
	v10 =	vmul.f32 v19, v14  }
0x74: {  	v35 =	vld.idx.msk [tilespmem:v12+s10+$0x0], $0xffff;
	v16 =	vmul.f32 v14, v14;
	v19 =	vor.u32 v42, v8;
	v5 =	vmul.f32 v53, v4  }
0x75: {  	v12 =	vmul.f32 v4, v4;
	v14 =	vld.idx.msk [tilespmem:v51+s10+$0x0], $0xffff;
	v53 =	vimm.f32 $0.0e+00;
	v4 =	vimm.f32 $0.0e+00  }
0x76: {  	s19 =	simm.s32 $0x1;
	v51 =	vimm.f32 $0.0e+00;
	v13 =	vld.idx.msk [tilespmem:v52+s10+$0x0], $0xffff;
	v1 =	vimm.f32 $0.0e+00;
	v52 =	vimm.f32 $0.0e+00  }
.LBB2_5:
0x77: {  	_ = 	snop  }
0x78: {  	v8 =	vor.u32 v45, v8  }
0x79: {  	v17 =	vld.idx.msk [tilespmem:v17+s10+$0x0], $0xffff  }
0x7a: {  	v24 =	vmovc v22;
	v22 =	vor.u32 v22, v15;
	v15 =	vor.u32 v27, v15;
	v10 =	vadd.f32 v10, v53  }
0x7b: {  	v19 =	vld.idx.msk [tilespmem:v19+s10+$0x0], $0xffff;
	v4 =	vadd.f32 v16, v4;
	v5 =	vadd.f32 v5, v52;
	v9 =	vmul.f32 v9, v14  }
0x7c: {  	v18 =	vld.idx.msk [tilespmem:v18+s10+$0x0], $0xffff;
	v60 =	vmul.f32 v60, v11;
	v11 =	vmul.f32 v11, v11;
	v3 =	vadd.f32 v3, v10  }
0x7d: {  	v14 =	vmul.f32 v14, v14;
	v2 =	vmul.f32 v2, v13;
	v8 =	vld.idx.msk [tilespmem:v8+s10+$0x0], $0xffff;
	v9 =	vadd.f32 v9, v38  }
0x7e: {  	v0 =	vadd.f32 v0, v4;
	v62 =	vmul.f32 v62, v36;
	v59 =	vmul.f32 v59, v35  }
0x7f: {  	v6 =	vadd.f32 v14, v6;
	v14 =	vmul.f32 v57, v17;
	v2 =	vadd.f32 v2, v9  }
0x80: {  	v3 =	vadd.f32 v59, v3;
	v9 =	vmul.f32 v17, v17;
	v17 =	vmul.f32 v19, v19  }
0x81: {  	v35 =	vmul.f32 v35, v35;
	v4 =	vmul.f32 v48, v18;
	v2 =	vadd.f32 v62, v2  }
0x82: {  	v53 =	vadd.f32 v60, v3;
	v1 =	vadd.f32 v17, v1;
	v3 =	vmul.f32 v8, v8  }
0x83: {  	v10 =	vld.idx.msk [tilespmem:v22+s10+$0x0], $0xffff;
	v38 =	vadd.f32 v4, v2;
	v2 =	vmul.f32 v54, v8;
	v8 =	vadd.f32 v12, v63  }
0x84: {  	v16 =	vmul.f32 v61, v19;
	v0 =	vadd.f32 v35, v0;
	v1 =	vadd.f32 v3, v1  }
0x85: {  	v20 =	vlaneseq.u32;
	v15 =	vld.idx.msk [tilespmem:v15+s10+$0x0], $0xffff;
	v3 =	vadd.f32 v56, v5;
	v5 =	vadd.f32 v7, v8  }
0x86: {  	v20 =	vadd.s32 s19, v20;
	v4 =	vadd.f32 v11, v0;
	v0 =	vadd.f32 v16, v51  }
0x87: {  	v5 =	vadd.f32 v9, v5;
	v9 =	vor.u32 v49, v20  }
0x88: {  	v11 =	vmul.f32 v46, v10;
	v0 =	vadd.f32 v2, v0;
	_ =	sdelay $0x1  }
0x89: {  	v7 =	vmul.f32 v37, v15;
	v0 =	vadd.f32 v11, v0;
	_ =	sdelay $0x1  }
0x8a: {  	v51 =	vadd.f32 v7, v0;
	v0 =	vor.u32 v41, v20;
	v12 =	vld.idx.msk [tilespmem:v9+s10+$0x0], $0xffff  }
0x8b: {  	v8 =	vmul.f32 v55, v55;
	v9 =	vld [tilespmem:$0x1FED0];
	_ =	sdelay $0x1  }
0x8c: {  	v63 =	vadd.f32 v8, v5;
	v5 =	vld [tilespmem:$0x1FEB0]  }
0x8d: {  	v2 =	vmul.f32 v10, v10;
	v10 =	vld [tilespmem:$0x1FEF0]  }
0x8e: {  	v8 =	vand.u32 $0xF, v20;
	v16 =	vld.idx.msk [tilespmem:v0+s10+$0x0], $0xffff  }
0x8f: {  	v13 =	vmul.f32 v13, v13;
	v62 =	vperm.xlane v9, v8;
	v9 =	vld [tilespmem:$0x1FF00]  }
0x90: {  	v21 =	vor.u32 v47, v20;
	v58 =	vmul.f32 v58, v55;
	v3 =	vadd.f32 v14, v3;
	v0 =	vld [tilespmem:$0x1FEC0]  }
0x91: {  	v36 =	vmul.f32 v36, v36;
	v6 =	vadd.f32 v13, v6;
	v48 =	vperm.xlane v5, v8;
	v5 =	vld [tilespmem:$0x1FFE0]  }
0x92: {  	v1 =	vadd.f32 v2, v1;
	v52 =	vadd.f32 v58, v3;
	v3 =	vor.u32 v39, v20;
	v7 =	vld [tilespmem:$0x1FEE0]  }
0x93: {  	v2 =	vmul.f32 v15, v15;
	v14 =	vor.u32 v23, v3;
	v37 =	vperm.xlane v10, v8;
	v10 =	vld [tilespmem:$0x1FFF0]  }
0x94: {  	v13 =	vmul.f32 v18, v18;
	v6 =	vadd.f32 v36, v6;
	v59 =	vperm.xlane v9, v8;
	v9 =	vld [tilespmem:$0x1FF30]  }
0x95: {  	v1 =	vadd.f32 v2, v1;
	v2 =	vor.u32 v43, v20;
	v57 =	vperm.xlane v0, v8;
	v0 =	vld [tilespmem:$0x1FF10]  }
0x96: {  	v5 =	vor.u32 v5, v3  }
0x97: {  	v6 =	vadd.f32 v13, v6;
	v13 =	vor.u32 v50, v8;
	v60 =	vperm.xlane v7, v8;
	v7 =	vld.idx.msk [tilespmem:v21+s10+$0x0], $0xffff  }
0x98: {  	v58 =	vperm.xlane v29, v8;
	v46 =	vperm.xlane v28, v8;
	v35 =	vld.idx.msk [tilespmem:v14+s10+$0x0], $0xffff;
	v10 =	vor.u32 v10, v3  }
0x99: {  	v18 =	vor.u32 v40, v8;
	v61 =	vperm.xlane v32, v8;
	v54 =	vperm.xlane v9, v8;
	v9 =	vld [tilespmem:$0x1FF20]  }
0x9a: {  	v19 =	vor.u32 v44, v8;
	v22 =	vperm.xlane v33, v8;
	v20 =	vld.idx.msk [tilespmem:v2+s10+$0x0], $0xffff;
	v0 =	vperm.xlane v0, v8  }
0x9b: {  	p0 =	sne.s32 s19, $0xF;
	v2 =	vperm.xlane v34, v8;
	v11 =	vld.idx.msk [tilespmem:v5+s10+$0x0], $0xffff;
	v5 =	vperm.xlane v31, v8  }
.Ltmp0:
0x9c: {  	v17 =	vor.u32 v25, v3;
	v36 =	vld.idx.msk [tilespmem:v13+s10+$0x0], $0xffff;
	v3 =	vmul.f32 v0, v7;
	v0 =	vmul.f32 v7, v7;
	(pc) =	sbr.rel @p0 .LBB2_5-.Ltmp0, $4  }
0x9d: {  	v55 =	vld.idx.msk [tilespmem:v10+s10+$0x0], $0xffff;
	v7 =	vmul.f32 v12, v12;
	v10 =	vmul.f32 v5, v16  }
0x9e: {  	v15 =	vor.u32 v39, v8;
	v14 =	vld.idx.msk [tilespmem:v18+s10+$0x0], $0xffff;
	v16 =	vmul.f32 v16, v16;
	v21 =	vperm.xlane v9, v8  }
0x9f: {  	v18 =	vor.u32 v26, v15;
	v13 =	vld.idx.msk [tilespmem:v19+s10+$0x0], $0xffff;
	v5 =	vmul.f32 v22, v20;
	v9 =	vperm.xlane v30, v8  }
0xa0: {  	s19 =	sadd.s32 $0x1, s19;
	v19 =	vor.u32 v42, v8;
	v22 =	vmovc v24;
	v56 =	vmul.f32 v21, v12;
	v12 =	vmul.f32 v20, v20  }
0xa1: {  	_ = 	snop  }
0xa2: {  	v8 =	vor.u32 v45, v8;
	_ =	sdelay $0x1  }
0xa3: {  	v20 =	vor.u32 v22, v15  }
0xa4: {  	v19 =	vld.idx.msk [tilespmem:v19+s10+$0x0], $0xffff  }
0xa5: {  	v15 =	vor.u32 v27, v15;
	v17 =	vld.idx.msk [tilespmem:v17+s10+$0x0], $0xffff  }
0xa6: {  	v8 =	vld.idx.msk [tilespmem:v8+s10+$0x0], $0xffff  }
0xa7: {  	v4 =	vadd.f32 v16, v4;
	v16 =	vld.idx.msk [tilespmem:v18+s10+$0x0], $0xffff;
	v21 =	vmul.f32 v14, v14  }
0xa8: {  	v18 =	vmul.f32 v36, v36;
	v20 =	vld.idx.msk [tilespmem:v20+s10+$0x0], $0xffff  }
0xa9: {  	v6 =	vadd.f32 v21, v6;
	v21 =	vmul.f32 v13, v13;
	v22 =	vmul.f32 v19, v19  }
0xaa: {  	v0 =	vadd.f32 v0, v4;
	v4 =	vadd.f32 v12, v63;
	v12 =	vmul.f32 v35, v35;
	v15 =	vld.idx.msk [tilespmem:v15+s10+$0x0], $0xffff  }
0xab: {  	v6 =	vadd.f32 v21, v6;
	v1 =	vadd.f32 v22, v1;
	v21 =	vmul.f32 v8, v8  }
0xac: {  	v4 =	vadd.f32 v7, v4;
	v0 =	vadd.f32 v12, v0;
	v7 =	vmul.f32 v17, v17  }
0xad: {  	v6 =	vadd.f32 v18, v6;
	v18 =	vmul.f32 v20, v20;
	v1 =	vadd.f32 v21, v1  }
0xae: {  	v12 =	vmul.f32 v16, v16;
	v4 =	vadd.f32 v7, v4;
	v7 =	vmul.f32 v55, v55  }
0xaf: {  	v21 =	vmul.f32 v11, v11;
	v1 =	vadd.f32 v18, v1;
	v18 =	vmul.f32 v15, v15  }
0xb0: {  	v4 =	vadd.f32 v7, v4;
	v6 =	vadd.f32 v12, v6  }
0xb1: {  	v0 =	vadd.f32 v21, v0;
	v1 =	vadd.f32 v18, v1;
	_ =	sdelay $0x1  }
0xb2: {  	v0 =	vadd.f32 v4, v0;
	v1 =	vadd.f32 v1, v6;
	_ =	sdelay $0x1  }
0xb3: {  	v0 =	vadd.f32 v0, v1;
	_ =	sdelay $0x1  }
0xb4: {  	v1 =	vshra.s32 v0, $0x1;
	v0 =	vmul.f32 $5.000000000e-01, v0  }
0xb5: {  	v1 =	vsub.s32 $0x5F3759DF, v1  }
0xb6: {  	v4 =	vmul.f32 v1, v0;
	_ =	sdelay $0x1  }
0xb7: {  	v4 =	vmul.f32 v1, v4;
	_ =	sdelay $0x1  }
0xb8: {  	v4 =	vsub.f32 $1.500000000e+00, v4;
	_ =	sdelay $0x1  }
0xb9: {  	v1 =	vmul.f32 v1, v4  }
0xba: {  	v10 =	vadd.f32 v10, v53  }
0xbb: {  	v6 =	vmul.f32 v9, v14;
	v7 =	vmul.f32 v1, v0  }
0xbc: {  	v5 =	vadd.f32 v5, v52;
	v3 =	vadd.f32 v3, v10  }
0xbd: {  	v2 =	vmul.f32 v2, v13;
	v6 =	vadd.f32 v6, v38;
	v7 =	vmul.f32 v7, v1  }
0xbe: {  	v5 =	vadd.f32 v56, v5;
	v13 =	vmul.f32 v61, v19;
	v10 =	vmul.f32 v48, v16  }
0xbf: {  	v12 =	vmul.f32 v59, v35;
	v2 =	vadd.f32 v2, v6;
	v6 =	vsub.f32 $1.500000000e+00, v7  }
0xc0: {  	v14 =	vmul.f32 v57, v17;
	v7 =	vmul.f32 v54, v8;
	v8 =	vadd.f32 v13, v51  }
0xc1: {  	v3 =	vadd.f32 v12, v3;
	v9 =	vmul.f32 v62, v36;
	v1 =	vmul.f32 v6, v1  }
0xc2: {  	v5 =	vadd.f32 v14, v5;
	v6 =	vmul.f32 v46, v20;
	v7 =	vadd.f32 v7, v8  }
0xc3: {  	v2 =	vadd.f32 v9, v2;
	v4 =	vmul.f32 v60, v11;
	v0 =	vmul.f32 v1, v0  }
0xc4: {  	v11 =	vmul.f32 v58, v55;
	v8 =	vmul.f32 v37, v15;
	v6 =	vadd.f32 v6, v7  }
0xc5: {  	v2 =	vadd.f32 v10, v2;
	v3 =	vadd.f32 v4, v3;
	v0 =	vmul.f32 v0, v1  }
0xc6: {  	v5 =	vadd.f32 v11, v5;
	v4 =	vadd.f32 v8, v6  }
0xc7: {  	v0 =	vsub.f32 $1.500000000e+00, v0  }
0xc8: {  	v3 =	vadd.f32 v5, v3;
	v2 =	vadd.f32 v4, v2  }
0xc9: {  	v0 =	vmul.f32 v0, v1  }
0xca: {  	v1 =	vadd.f32 v3, v2  }
0xcb: {  	v0 =	vmin.f32 v0, $1.000000000e+08  }
0xcc: {  	v0 =	vmul.f32 v0, v1;
	v1 =	vld [tilespmem:$0x1FEA0];
	_ =	sdelay $0x1  }
0xcd: {  	v16 =	vld [tilespmem:$0x1FF30]  }
0xce: {  	v12 =	vld [tilespmem:$0x1FEC0]  }
0xcf: {  	v14 =	vld [tilespmem:$0x1FEF0]  }
0xd0: {  	v0 =	vmul.f32 v0, v1;
	v1 =	vld [tilespmem:$0x1FE90]  }
0xd1: {  	v9 =	vld [tilespmem:$0x1FF00]  }
0xd2: {  	s17 =	sadd.s32 $0x1, s17;
	v10 =	vld [tilespmem:$0x1FEB0]  }
0xd3: {  	p0 =	seq.s32 s17, $0xA;
	v11 =	vld [tilespmem:$0x1FF10]  }
.Ltmp1:
0xd4: {  	v5 =	vld [tilespmem:$0x1FFE0];
	(pc) =	sbr.rel @!p0 .LBB2_4-.Ltmp1, $4  }
0xd5: {  	v13 =	vld [tilespmem:$0x1FEE0]  }
0xd6: {  	v15 =	vld [tilespmem:$0x1FF20]  }
0xd7: {  	v7 =	vld [tilespmem:$0x1FED0]  }
0xd8: {  	v22 =	vmov v24;
	v6 =	vld [tilespmem:$0x1FFF0];
	v3 =	vlaneseq.u32;
	[tilespmem:v1+s18+$0x0 ss:$0x1] =	vst.idx.msk $0xffff, v0  }
0xd9: {  	p0 =	seq.s32 s14, $0x8  }
.Ltmp2:
0xda: {  	_ = 	snop;
	(pc) =	sbr.rel @!p0 .LBB2_3-.Ltmp2, $1  }
0xdb: {  	_ =	sdelay $0x3  }
0xdc: {  	s13 =	sadd.s32 $0x1, s13  }
0xdd: {  	p0 =	sne.s32 s13, s8  }
.Ltmp3:
0xde: {  	_ = 	snop;
	(pc) =	sbr.rel @p0 .LBB2_1-.Ltmp3, $4  }
0xdf: {  	[hbm4b:s7+s4] =	stream.linear.scatter [tilespmem:s12], [sflag:$0x2], $0x500, $0x38;
	[tilespmem:$0x14600] =	vst v63  }
0xe0: {  	_ =	swait.ge [sflag:s9], $0x500  }
0xe1: {  	[sflag:s9] =	ssyncset.done $0x0  }
0xe2: {  	[sflag:s9] =	ssyncadd.s32 $0xFFFFFB00  }
0xe3: {  	_ =	sfence.sel $0x180000  }
0xe4: {  	[bflag:$0x0] =	sbarrier.arrive $0xFFFF  }
0xe5: {  	p0 =	sne.s32 s0, $0x0;
	_ =	strace $0x90000047  }
0xe6: {  	s0 =	sadd.s32 @!p0 $0x100000, s3;
	[bflag:$0x2] =	sbarrier.arrive $0xFFFF  }
0xe7: {  	[sflag:s0] =	ssyncadd.tile.s32 @!p0 $0x1;
	_ =	shalt  }
.Lfunc_end2:
_tile_overlayer_lowered:
.L_overlay_start_2:
0xe8: {  	(tag) =	ssettag $0x2  }
0xe9: {  	s0 =	rddreg [dreg:$0x0];
	s2 =	stileid.u32  }
0xea: {  	s1 =	rddreg [dreg:$0x1];
	p0 =	sne.s32 s2, $0x0  }
0xeb: {  	s3 =	rddreg [dreg:$0x2];
	[bflag:$0x3] =	sbarrier.arrive $0xFFFF;
	s2 =	simm.s32 @!p0 $0x1C02  }
0xec: {  	[timem:s3], [sflag:s2] =	dma.local @!p0 [hbm:s0], s1  }
0xed: {  	s0 =	simm.s32 @!p0 $0x2  }
0xee: {  	_ =	swait.ge @!p0 [sflag:s0], s1  }
0xef: {  	s1 =	ssub.s32 @!p0 $0x0, s1;
	[sflag:s0] =	ssyncset.done @!p0 $0x0  }
0xf0: {  	[sflag:s0] =	ssyncadd.s32 @!p0 s1  }
0xf1: {  	[bflag:$0x3] =	sbarrier.arrive $0xFFFF  }
0xf2: {  	_ =	shalt  }

</sc_bundles>
